<compile_context>
chip_gen: v7x
topology: tpu7x:2x2x1
jax: 0.10.2.dev20260603
libtpu: 0.0.44.dev20260713+nightly
codegen_flags: <defaults>
</compile_context>

<pallas_src>
import functools

import jax
import jax.numpy as jnp
from jax import lax
from jax.experimental import pallas as pl
from jax.experimental.pallas import tpu as pltpu
from jax.experimental.pallas import tpu_sc as plsc

N = 10000
E = 320000
D_IN = 128
H = 128
C = 2

NC = 2
NS = 16
NW = NC * NS
EPW = E // NW
CH = 125
NCH = EPW // CH
NP = 10240
RPT = NP // NS
ZCH = 80

_mesh = plsc.VectorSubcoreMesh(core_axis_name="c", subcore_axis_name="s")


@functools.partial(
    pl.kernel,
    out_type=jax.ShapeDtypeStruct((NC, NP * 8), jnp.float32),
    mesh=_mesh,
    compiler_params=pltpu.CompilerParams(needs_layout_passes=False),
    scratch_types=[
        pltpu.VMEM_SHARED((NS * NP,), jnp.float32),
        pltpu.VMEM((EPW,), jnp.int32),
        pltpu.VMEM((NP,), jnp.float32),
        pltpu.VMEM((RPT,), jnp.float32),
        pltpu.VMEM((RPT,), jnp.float32),
        pltpu.VMEM((RPT * 8,), jnp.float32),
    ],
)
def _sc_degree(dst_hbm, out_hbm, stage, idx_v, hist_v, acc_v, tmp_v, obuf):
    c = lax.axis_index("c")
    s = lax.axis_index("s")
    w = c * NS + s
    one16 = jnp.full((16,), 1.0, jnp.float32)
    zer16 = jnp.zeros((16,), jnp.float32)

    def zh(i, carry):
        hist_v[pl.ds(i * 16, 16)] = zer16
        return carry

    lax.fori_loop(0, NP // 16, zh, 0)
    pltpu.sync_copy(dst_hbm.at[pl.ds(w * EPW, EPW)], idx_v)

    def step(j, carry):
        iv = idx_v[pl.ds(j * 16, 16)]
        plsc.addupdate_scatter(hist_v, [iv], one16)
        return carry

    lax.fori_loop(0, EPW // 16, step, 0)
    pltpu.sync_copy(hist_v, stage.at[pl.ds(s * NP, NP)])
    plsc.subcore_barrier()

    base = s * RPT

    def za(i, carry):
        acc_v[pl.ds(i * 16, 16)] = zer16
        return carry

    lax.fori_loop(0, RPT // 16, za, 0)

    def red(t, carry):
        pltpu.sync_copy(stage.at[pl.ds(t * NP + base, RPT)], tmp_v)

        def add(i, carry2):
            acc_v[pl.ds(i * 16, 16)] = (
                acc_v[pl.ds(i * 16, 16)] + tmp_v[pl.ds(i * 16, 16)]
            )
            return carry2

        lax.fori_loop(0, RPT // 16, add, 0)
        return carry

    lax.fori_loop(0, NS, red, 0)

    def put(k, carry):
        rows = (lax.iota(jnp.int32, 16) + k * 16) * 8
        plsc.store_scatter(obuf, [rows], acc_v[pl.ds(k * 16, 16)])
        return carry

    lax.fori_loop(0, RPT // 16, put, 0)
    pltpu.sync_copy(obuf, out_hbm.at[c, pl.ds(base * 8, RPT * 8)])


@functools.partial(
    pl.kernel,
    out_type=jax.ShapeDtypeStruct((NC, NP, H), jnp.float32),
    mesh=_mesh,
    scratch_types=[
        pltpu.VMEM_SHARED((NP, H), jnp.float32),
        pltpu.VMEM((NCH, CH), jnp.int32),
        [pltpu.VMEM((CH,), jnp.int32) for _ in range(4)],
        [pltpu.VMEM((CH, H), jnp.float32) for _ in range(2)],
        [pltpu.SemaphoreType.DMA for _ in range(2)],
        [pltpu.SemaphoreType.DMA for _ in range(2)],
        [pltpu.SemaphoreType.DMA for _ in range(4)],
    ],
)
def _sc_scatter(g_hbm, src_hbm, dst_hbm, out_hbm, acc, sidx, da,
                buf, semg, sems, semi):
    c = lax.axis_index("c")
    s = lax.axis_index("s")
    w = c * NS + s
    zer16 = jnp.zeros((16,), jnp.float32)
    hb = H // 16

    def zb(i, carry):
        buf[0][i // hb, pl.ds((i % hb) * 16, 16)] = zer16
        return carry

    lax.fori_loop(0, CH * hb, zb, 0)

    base = s * RPT

    def zc(k, carry):
        pltpu.sync_copy(buf[0].at[pl.ds(0, ZCH)], acc.at[pl.ds(base + k * ZCH, ZCH)])
        return carry

    lax.fori_loop(0, RPT // ZCH, zc, 0)
    plsc.subcore_barrier()

    row0 = w * NCH

    pltpu.sync_copy(src_hbm.at[pl.ds(row0, NCH)], sidx)
    for q in range(3):
        pltpu.async_copy(dst_hbm.at[row0 + q], da[q], semi[q])
    pltpu.async_copy(g_hbm.at[sidx.at[0]], buf[0], semg[0])
    pltpu.make_async_copy(dst_hbm.at[row0], da[0], semi[0]).wait()

    def step4(k, carry):
        for pos in range(4):
            p = pos % 2
            jj = 4 * k + pos
            j = row0 + jj
            pltpu.make_async_copy(g_hbm.at[sidx.at[jj]], buf[p], semg[p]).wait()
            pltpu.async_copy(buf[p], acc.at[da[pos]], sems[p], add=True)

            def wait_prev():
                qm = (pos - 1) % 4
                pltpu.make_async_copy(
                    buf[1 - p], acc.at[da[qm]], sems[1 - p]).wait()

            if pos == 0:
                @pl.when(k > 0)
                def _():
                    wait_prev()
            else:
                wait_prev()

            qn = (pos + 1) % 4

            @pl.when(jj + 1 < NCH)
            def _():
                pltpu.make_async_copy(dst_hbm.at[j + 1], da[qn], semi[qn]).wait()
                pltpu.async_copy(g_hbm.at[sidx.at[jj + 1]], buf[1 - p], semg[1 - p])

            qp = (pos + 3) % 4

            @pl.when(jj + 3 < NCH)
            def _():
                pltpu.async_copy(dst_hbm.at[j + 3], da[qp], semi[qp])

        return carry

    lax.fori_loop(0, NCH // 4, step4, 0)
    pltpu.make_async_copy(buf[1], acc.at[da[3]], sems[1]).wait()
    plsc.subcore_barrier()
    pltpu.sync_copy(acc.at[pl.ds(base, RPT)], out_hbm.at[c].at[pl.ds(base, RPT)])


_R = 2000


def _tc1a_body(x_ref, w_ref, b_ref, h_ref):
    hv = lax.dot_general(
        x_ref[...], w_ref[...], (((1,), (1,)), ((), ())),
        preferred_element_type=jnp.float32)
    h_ref[...] = jnp.maximum(hv + b_ref[...], 0.0)


def _tc_stage1a(x, w_in, b_in):
    grid = (N // _R,)
    return pl.pallas_call(
        _tc1a_body,
        grid=grid,
        in_specs=[
            pl.BlockSpec((_R, D_IN), lambda i: (i, 0)),
            pl.BlockSpec((H, D_IN), lambda i: (0, 0)),
            pl.BlockSpec((1, H), lambda i: (0, 0)),
        ],
        out_specs=pl.BlockSpec((_R, H), lambda i: (i, 0)),
        out_shape=jax.ShapeDtypeStruct((N, H), jnp.float32),
    )(x, w_in, b_in)


def _tc1b_body(deg_ref, h_ref, g_ref, nrm_ref, inv_ref):
    d = deg_ref[0, :, :1] + deg_ref[1, :, :1]
    degc = jnp.maximum(d, 1.0)
    nrm = lax.rsqrt(degc)
    g_ref[...] = h_ref[...] * nrm
    nrm_ref[...] = nrm
    inv_ref[...] = jnp.sqrt(degc)


def _tc_stage1b(deg_parts, h):
    grid = (N // _R,)
    return pl.pallas_call(
        _tc1b_body,
        grid=grid,
        in_specs=[
            pl.BlockSpec((NC, _R, 8), lambda i: (0, i, 0)),
            pl.BlockSpec((_R, H), lambda i: (i, 0)),
        ],
        out_specs=[
            pl.BlockSpec((_R, H), lambda i: (i, 0)),
            pl.BlockSpec((_R, 1), lambda i: (i, 0)),
            pl.BlockSpec((_R, 1), lambda i: (i, 0)),
        ],
        out_shape=[
            jax.ShapeDtypeStruct((N, H), jnp.float32),
            jax.ShapeDtypeStruct((N, 1), jnp.float32),
            jax.ShapeDtypeStruct((N, 1), jnp.float32),
        ],
    )(deg_parts, h)


def _tc2_body(g_ref, sp_ref, nrm_ref, inv_ref, w1_ref, w2_ref, bc_ref,
              wo_ref, bo_ref, out_ref):
    sm = sp_ref[0] + sp_ref[1]
    dn = (((1,), (1,)), ((), ()))
    p = lax.dot_general(g_ref[...], w1_ref[...], dn,
                        preferred_element_type=jnp.float32)
    q = lax.dot_general(sm, w2_ref[...], dn,
                        preferred_element_type=jnp.float32)
    h2 = jnp.maximum(p * inv_ref[...] - q * nrm_ref[...] + bc_ref[...], 0.0)
    out_ref[...] = (
        lax.dot_general(h2, wo_ref[...], dn,
                        preferred_element_type=jnp.float32)
        + bo_ref[...]
    )


def _tc_stage2(g, s_parts, nrm, inv, w1_t, w2_t, b_cheb, w_out_t, b_out):
    grid = (N // _R,)
    return pl.pallas_call(
        _tc2_body,
        grid=grid,
        in_specs=[
            pl.BlockSpec((_R, H), lambda i: (i, 0)),
            pl.BlockSpec((NC, _R, H), lambda i: (0, i, 0)),
            pl.BlockSpec((_R, 1), lambda i: (i, 0)),
            pl.BlockSpec((_R, 1), lambda i: (i, 0)),
            pl.BlockSpec((H, H), lambda i: (0, 0)),
            pl.BlockSpec((H, H), lambda i: (0, 0)),
            pl.BlockSpec((1, H), lambda i: (0, 0)),
            pl.BlockSpec((C, H), lambda i: (0, 0)),
            pl.BlockSpec((1, C), lambda i: (0, 0)),
        ],
        out_specs=pl.BlockSpec((_R, C), lambda i: (i, 0)),
        out_shape=jax.ShapeDtypeStruct((N, C), jnp.float32),
    )(g, s_parts, nrm, inv, w1_t, w2_t, b_cheb, w_out_t, b_out)


def kernel(x, edge_index, W_in, b_in, W_cheb, b_cheb, W_out, b_out):
    src2 = edge_index[0].reshape(E // CH, CH)
    dst2 = edge_index[1].reshape(E // CH, CH)

    deg_parts = _sc_degree(edge_index[1]).reshape(NC, NP, 8)
    h = _tc_stage1a(x, W_in, b_in.reshape(1, H))
    g, nrm, inv = _tc_stage1b(deg_parts, h)
    s_parts = _sc_scatter(g, src2, dst2)
    out = _tc_stage2(
        g, s_parts, nrm, inv,
        W_cheb[:, :H], W_cheb[:, H:], b_cheb.reshape(1, H),
        W_out, b_out.reshape(1, C),
    )
    return out

# --- scband reference (transcript-rebuilt; emitter-appended) ---
"""Pipeline reference for scband-cheb-net-10273561772523 (READ-ONLY COPY).

The authoritative reference and input builder live on the scoring server;
editing this copy changes nothing except your own understanding.
"""

import jax, jax.numpy as jnp
import numpy as np

N = 10000
E = 320000
D_IN = 128
H = 128
C = 2
K = 2  # num_layers (Chebyshev order)


def setup_inputs(seed: int = 0) -> dict:
    key = jax.random.key(seed)
    ks = jax.random.split(key, 9)
    x = jax.random.normal(ks[0], (N, D_IN), dtype=jnp.float32)
    edge_index = jax.random.randint(ks[1], (2, E), 0, N, dtype=jnp.int32)
    # input_linear: Linear(D_IN -> H)
    W_in = jax.random.normal(ks[2], (H, D_IN), dtype=jnp.float32) * (1.0 / np.sqrt(D_IN))
    b_in = jax.random.normal(ks[3], (H,), dtype=jnp.float32) * 0.01
    # DGL ChebConv: single Linear(K * H -> H)
    W_cheb = jax.random.normal(ks[4], (H, K * H), dtype=jnp.float32) * (1.0 / np.sqrt(K * H))
    b_cheb = jax.random.normal(ks[5], (H,), dtype=jnp.float32) * 0.01
    # output_linear: Linear(H -> C)
    W_out = jax.random.normal(ks[6], (C, H), dtype=jnp.float32) * (1.0 / np.sqrt(H))
    b_out = jax.random.normal(ks[7], (C,), dtype=jnp.float32) * 0.01
    return {
        "x": x,
        "edge_index": edge_index,
        "W_in": W_in,
        "b_in": b_in,
        "W_cheb": W_cheb,
        "b_cheb": b_cheb,
        "W_out": W_out,
        "b_out": b_out,
    }


def reference(x, edge_index, W_in, b_in, W_cheb, b_cheb, W_out, b_out):
    n = x.shape[0]
    # input linear + ReLU (dropout_rate=0 -> identity)
    h = jax.nn.relu(x @ W_in.T + b_in)

    src = edge_index[0]
    dst = edge_index[1]
    # DGL ChebConv: symmetric normalization with in-degrees, clamp(min=1)
    deg = jnp.bincount(dst, length=n).astype(jnp.float32)
    deg = jnp.clip(deg, 1.0, None)
    norm = (deg ** -0.5)[:, None]

    lambda_max = 2.0
    re_norm = 2.0 / lambda_max  # = 1.0

    # X_0 = h; X_1 = -re_norm * (norm * A @ (norm * X_0)) + (re_norm - 1) * X_0
    X0 = h
    msg = jax.ops.segment_sum((X0 * norm)[src], dst, num_segments=n) * norm
    X1 = -re_norm * msg + X0 * (re_norm - 1.0)
    # K = 2: Xt = concat(X0, X1)
    Xt = jnp.concatenate([X0, X1], axis=1)

    h = Xt @ W_cheb.T + b_cheb
    h = jax.nn.relu(h)  # ChebConv activation

    # dropout identity, output linear
    out = h @ W_out.T + b_out
    return out

if __name__ == "__main__":
    import jax
    _d = setup_inputs()
    print(jax.jit(kernel)(*tuple(_d.values())))

</pallas_src>

<mosaic_0001>
#map = affine_map<(d0, d1) -> (0)>
#map1 = affine_map<(d0, d1) -> (0, 0)>
module attributes {stable_mosaic.version = 14 : i64} {
  func.func @_sc_degree(%arg0: i32, %arg1: i32, %arg2: memref<320000xi32, #tpu.memory_space<hbm>>, %arg3: memref<2x81920xf32, #tpu.memory_space<hbm>>, %arg4: memref<163840xf32, #tpu.memory_space<vmem_shared>>, %arg5: memref<10000xi32, #tpu.memory_space<vmem>>, %arg6: memref<10240xf32, #tpu.memory_space<vmem>>, %arg7: memref<640xf32, #tpu.memory_space<vmem>>, %arg8: memref<640xf32, #tpu.memory_space<vmem>>, %arg9: memref<5120xf32, #tpu.memory_space<vmem>>) attributes {dimension_semantics = [#tpu.dimension_semantics<core_parallel>, #tpu.dimension_semantics<subcore_parallel>], iteration_bounds = array<i64: 2, 16>, scalar_prefetch = 0 : i64, scratch_operands = 6 : i64, tpu.core_type = #tpu.core_type<sc_vector_subcore>, window_params = [{transform_indices = #map}, {transform_indices = #map1}]} {
    %mul3A = arith.constant 16 : i32
    %mul3A_0 = arith.muli %arg0, %mul3A : i32
    %add3A = arith.addi %mul3A_0, %arg1 : i32
    %broadcast_in_dim3A = arith.constant 1.000000e+00 : f32
    %broadcast_in_dim3A_1 = vector.broadcast %broadcast_in_dim3A : f32 to vector<16xf32>
    %broadcast_in_dim3A_2 = arith.constant 0.000000e+00 : f32
    %broadcast_in_dim3A_3 = vector.broadcast %broadcast_in_dim3A_2 : f32 to vector<16xf32>
    %scan3A = arith.constant 0 : i32
    %scan3A_4 = arith.constant 0 : i32
    %scan3A_5 = arith.constant 640 : i32
    %scan3A_6 = arith.addi %scan3A_4, %scan3A_5 : i32
    %scan3A_7 = arith.constant 1 : i32
    scf.for %scan3A_41 = %scan3A_4 to %scan3A_6 step %scan3A_7  : i32 {
      %mul3A_42 = arith.constant 16 : i32
      %mul3A_43 = arith.muli %scan3A_41, %mul3A_42 : i32
      %swap3A = arith.index_cast %mul3A_43 : i32 to index
      %swap3A_44 = tpu.vector_load %arg6[%swap3A] {strides = array<i32>} : memref<10240xf32, #tpu.memory_space<vmem>>, vector<16xf32>,
      tpu.vector_store %arg6[%swap3A], %broadcast_in_dim3A_3 {strides = array<i32>} : memref<10240xf32, #tpu.memory_space<vmem>>, vector<16xf32>,
    }
    %scan3A_8 = arith.constant 640 : i32
    %mul3A_9 = arith.constant 10000 : i32
    %mul3A_10 = arith.muli %add3A, %mul3A_9 : i32
    "tpu.region"() ({
      %run_scoped3A = tpu.sem_alloc : memref<!tpu.dma_semaphore, #tpu.memory_space<semaphore_mem>>
      %dma_start3A = tpu.memref_slice %arg2[%mul3A_10] : memref<320000xi32, #tpu.memory_space<hbm>> -> memref<10000xi32, #tpu.memory_space<hbm>>
      %dma_start3A_41 = tpu.memref_slice %arg2[%mul3A_10] : memref<320000xi32, #tpu.memory_space<hbm>> -> memref<10000xi32, #tpu.memory_space<hbm>>
      tpu.enqueue_dma source(%dma_start3A_41 : memref<10000xi32, #tpu.memory_space<hbm>>) target(%arg5 : memref<10000xi32, #tpu.memory_space<vmem>>) target_semaphore(%run_scoped3A : memref<!tpu.dma_semaphore, #tpu.memory_space<semaphore_mem>>)
      %dma_wait3A = tpu.memref_slice %arg2[%mul3A_10] : memref<320000xi32, #tpu.memory_space<hbm>> -> memref<10000xi32, #tpu.memory_space<hbm>>
      %dma_wait3A_42 = tpu.memref_slice %arg2[%mul3A_10] : memref<320000xi32, #tpu.memory_space<hbm>> -> memref<10000xi32, #tpu.memory_space<hbm>>
      tpu.wait_dma2 semaphore(%run_scoped3A : memref<!tpu.dma_semaphore, #tpu.memory_space<semaphore_mem>>) src(%dma_wait3A_42 : memref<10000xi32, #tpu.memory_space<hbm>>) dst(%arg5 : memref<10000xi32, #tpu.memory_space<vmem>>)
      tpu.yield
    }) : () -> ()
    %scan3A_11 = arith.constant 0 : i32
    %scan3A_12 = arith.constant 0 : i32
    %scan3A_13 = arith.constant 625 : i32
    %scan3A_14 = arith.addi %scan3A_12, %scan3A_13 : i32
    %scan3A_15 = arith.constant 1 : i32
    scf.for %scan3A_41 = %scan3A_12 to %scan3A_14 step %scan3A_15  : i32 {
      %mul3A_42 = arith.constant 16 : i32
      %mul3A_43 = arith.muli %scan3A_41, %mul3A_42 : i32
      %get3A = arith.index_cast %mul3A_43 : i32 to index
      %get3A_44 = tpu.vector_load %arg5[%get3A] {strides = array<i32>} : memref<10000xi32, #tpu.memory_space<vmem>>, vector<16xi32>,
      tpu.vector_store_idx %arg6[%get3A_44], %broadcast_in_dim3A_1 {add = true} : memref<10240xf32, #tpu.memory_space<vmem>>[vector<16xi32>], vector<16xf32>,
    }
    %scan3A_16 = arith.constant 625 : i32
    %mul3A_17 = arith.constant 10240 : i32
    %mul3A_18 = arith.muli %arg1, %mul3A_17 : i32
    "tpu.region"() ({
      %run_scoped3A = tpu.sem_alloc : memref<!tpu.dma_semaphore, #tpu.memory_space<semaphore_mem>>
      %dma_start3A = tpu.memref_slice %arg4[%mul3A_18] : memref<163840xf32, #tpu.memory_space<vmem_shared>> -> memref<10240xf32, #tpu.memory_space<vmem_shared>>
      %dma_start3A_41 = tpu.memref_slice %arg4[%mul3A_18] : memref<163840xf32, #tpu.memory_space<vmem_shared>> -> memref<10240xf32, #tpu.memory_space<vmem_shared>>
      tpu.enqueue_dma source(%arg6 : memref<10240xf32, #tpu.memory_space<vmem>>) target(%dma_start3A_41 : memref<10240xf32, #tpu.memory_space<vmem_shared>>) target_semaphore(%run_scoped3A : memref<!tpu.dma_semaphore, #tpu.memory_space<semaphore_mem>>)
      %dma_wait3A = tpu.memref_slice %arg4[%mul3A_18] : memref<163840xf32, #tpu.memory_space<vmem_shared>> -> memref<10240xf32, #tpu.memory_space<vmem_shared>>
      %dma_wait3A_42 = tpu.memref_slice %arg4[%mul3A_18] : memref<163840xf32, #tpu.memory_space<vmem_shared>> -> memref<10240xf32, #tpu.memory_space<vmem_shared>>
      tpu.wait_dma2 semaphore(%run_scoped3A : memref<!tpu.dma_semaphore, #tpu.memory_space<semaphore_mem>>) src(%arg6 : memref<10240xf32, #tpu.memory_space<vmem>>) dst(%dma_wait3A_42 : memref<10240xf32, #tpu.memory_space<vmem_shared>>)
      tpu.yield
    }) : () -> ()
    %barrier3A = arith.constant 0 : index
    tpu.barrier barrier_id(%barrier3A)
    %mul3A_19 = arith.constant 640 : i32
    %mul3A_20 = arith.muli %arg1, %mul3A_19 : i32
    %scan3A_21 = arith.constant 0 : i32
    %scan3A_22 = arith.constant 0 : i32
    %scan3A_23 = arith.constant 40 : i32
    %scan3A_24 = arith.addi %scan3A_22, %scan3A_23 : i32
    %scan3A_25 = arith.constant 1 : i32
    scf.for %scan3A_41 = %scan3A_22 to %scan3A_24 step %scan3A_25  : i32 {
      %mul3A_42 = arith.constant 16 : i32
      %mul3A_43 = arith.muli %scan3A_41, %mul3A_42 : i32
      %swap3A = arith.index_cast %mul3A_43 : i32 to index
      %swap3A_44 = tpu.vector_load %arg7[%swap3A] {strides = array<i32>} : memref<640xf32, #tpu.memory_space<vmem>>, vector<16xf32>,
      tpu.vector_store %arg7[%swap3A], %broadcast_in_dim3A_3 {strides = array<i32>} : memref<640xf32, #tpu.memory_space<vmem>>, vector<16xf32>,
    }
    %scan3A_26 = arith.constant 40 : i32
    %scan3A_27 = arith.constant 0 : i32
    %scan3A_28 = arith.constant 0 : i32
    %scan3A_29 = arith.constant 16 : i32
    %scan3A_30 = arith.addi %scan3A_28, %scan3A_29 : i32
    %scan3A_31 = arith.constant 1 : i32
    scf.for %scan3A_41 = %scan3A_28 to %scan3A_30 step %scan3A_31  : i32 {
      %mul3A_42 = arith.constant 10240 : i32
      %mul3A_43 = arith.muli %scan3A_41, %mul3A_42 : i32
      %add3A_44 = arith.addi %mul3A_43, %mul3A_20 : i32
      "tpu.region"() ({
        %run_scoped3A = tpu.sem_alloc : memref<!tpu.dma_semaphore, #tpu.memory_space<semaphore_mem>>
        %dma_start3A = tpu.memref_slice %arg4[%add3A_44] : memref<163840xf32, #tpu.memory_space<vmem_shared>> -> memref<640xf32, #tpu.memory_space<vmem_shared>>
        %dma_start3A_51 = tpu.memref_slice %arg4[%add3A_44] : memref<163840xf32, #tpu.memory_space<vmem_shared>> -> memref<640xf32, #tpu.memory_space<vmem_shared>>
        tpu.enqueue_dma source(%dma_start3A_51 : memref<640xf32, #tpu.memory_space<vmem_shared>>) target(%arg8 : memref<640xf32, #tpu.memory_space<vmem>>) target_semaphore(%run_scoped3A : memref<!tpu.dma_semaphore, #tpu.memory_space<semaphore_mem>>)
        %dma_wait3A = tpu.memref_slice %arg4[%add3A_44] : memref<163840xf32, #tpu.memory_space<vmem_shared>> -> memref<640xf32, #tpu.memory_space<vmem_shared>>
        %dma_wait3A_52 = tpu.memref_slice %arg4[%add3A_44] : memref<163840xf32, #tpu.memory_space<vmem_shared>> -> memref<640xf32, #tpu.memory_space<vmem_shared>>
        tpu.wait_dma2 semaphore(%run_scoped3A : memref<!tpu.dma_semaphore, #tpu.memory_space<semaphore_mem>>) src(%dma_wait3A_52 : memref<640xf32, #tpu.memory_space<vmem_shared>>) dst(%arg8 : memref<640xf32, #tpu.memory_space<vmem>>)
        tpu.yield
      }) : () -> ()
      %scan3A_45 = arith.constant 0 : i32
      %scan3A_46 = arith.constant 0 : i32
      %scan3A_47 = arith.constant 40 : i32
      %scan3A_48 = arith.addi %scan3A_46, %scan3A_47 : i32
      %scan3A_49 = arith.constant 1 : i32
      scf.for %scan3A_51 = %scan3A_46 to %scan3A_48 step %scan3A_49  : i32 {
        %mul3A_52 = arith.constant 16 : i32
        %mul3A_53 = arith.muli %scan3A_51, %mul3A_52 : i32
        %get3A = arith.index_cast %mul3A_53 : i32 to index
        %get3A_54 = tpu.vector_load %arg7[%get3A] {strides = array<i32>} : memref<640xf32, #tpu.memory_space<vmem>>, vector<16xf32>,
        %mul3A_55 = arith.constant 16 : i32
        %mul3A_56 = arith.muli %scan3A_51, %mul3A_55 : i32
        %get3A_57 = arith.index_cast %mul3A_56 : i32 to index
        %get3A_58 = tpu.vector_load %arg8[%get3A_57] {strides = array<i32>} : memref<640xf32, #tpu.memory_space<vmem>>, vector<16xf32>,
        %add3A_59 = arith.addf %get3A_54, %get3A_58 : vector<16xf32>
        %mul3A_60 = arith.constant 16 : i32
        %mul3A_61 = arith.muli %scan3A_51, %mul3A_60 : i32
        %swap3A = arith.index_cast %mul3A_61 : i32 to index
        %swap3A_62 = tpu.vector_load %arg7[%swap3A] {strides = array<i32>} : memref<640xf32, #tpu.memory_space<vmem>>, vector<16xf32>,
        tpu.vector_store %arg7[%swap3A], %add3A_59 {strides = array<i32>} : memref<640xf32, #tpu.memory_space<vmem>>, vector<16xf32>,
      }
      %scan3A_50 = arith.constant 40 : i32
    }
    %scan3A_32 = arith.constant 16 : i32
    %scan3A_33 = arith.constant 0 : i32
    %scan3A_34 = arith.constant 0 : i32
    %scan3A_35 = arith.constant 40 : i32
    %scan3A_36 = arith.addi %scan3A_34, %scan3A_35 : i32
    %scan3A_37 = arith.constant 1 : i32
    scf.for %scan3A_41 = %scan3A_34 to %scan3A_36 step %scan3A_37  : i32 {
      %iota3A = tpu.iota {dimensions = array<i32: 0>} : vector<16xi32>
      %mul3A_42 = arith.constant 16 : i32
      %mul3A_43 = arith.muli %scan3A_41, %mul3A_42 : i32
      %add3A_44 = vector.broadcast %mul3A_43 : i32 to vector<16xi32>
      %add3A_45 = arith.addi %iota3A, %add3A_44 : vector<16xi32>
      %mul3A_46 = arith.constant 8 : i32
      %mul3A_47 = vector.broadcast %mul3A_46 : i32 to vector<16xi32>
      %mul3A_48 = arith.muli %add3A_45, %mul3A_47 : vector<16xi32>
      %mul3A_49 = arith.constant 16 : i32
      %mul3A_50 = arith.muli %scan3A_41, %mul3A_49 : i32
      %get3A = arith.index_cast %mul3A_50 : i32 to index
      %get3A_51 = tpu.vector_load %arg7[%get3A] {strides = array<i32>} : memref<640xf32, #tpu.memory_space<vmem>>, vector<16xf32>,
      tpu.vector_store_idx %arg9[%mul3A_48], %get3A_51 : memref<5120xf32, #tpu.memory_space<vmem>>[vector<16xi32>], vector<16xf32>,
    }
    %scan3A_38 = arith.constant 40 : i32
    %mul3A_39 = arith.constant 8 : i32
    %mul3A_40 = arith.muli %mul3A_20, %mul3A_39 : i32
    "tpu.region"() ({
      %run_scoped3A = tpu.sem_alloc : memref<!tpu.dma_semaphore, #tpu.memory_space<semaphore_mem>>
      %dma_start3A = tpu.memref_slice %arg3[%arg0, %mul3A_40] : memref<2x81920xf32, #tpu.memory_space<hbm>> -> memref<1x5120xf32, #tpu.memory_space<hbm>>
      %dma_start3A_41 = tpu.memref_squeeze %dma_start3A : memref<1x5120xf32, #tpu.memory_space<hbm>> -> memref<5120xf32, #tpu.memory_space<hbm>>
      %dma_start3A_42 = tpu.memref_slice %arg3[%arg0, %mul3A_40] : memref<2x81920xf32, #tpu.memory_space<hbm>> -> memref<1x5120xf32, #tpu.memory_space<hbm>>
      %dma_start3A_43 = tpu.memref_squeeze %dma_start3A_42 : memref<1x5120xf32, #tpu.memory_space<hbm>> -> memref<5120xf32, #tpu.memory_space<hbm>>
      tpu.enqueue_dma source(%arg9 : memref<5120xf32, #tpu.memory_space<vmem>>) target(%dma_start3A_43 : memref<5120xf32, #tpu.memory_space<hbm>>) target_semaphore(%run_scoped3A : memref<!tpu.dma_semaphore, #tpu.memory_space<semaphore_mem>>)
      %dma_wait3A = tpu.memref_slice %arg3[%arg0, %mul3A_40] : memref<2x81920xf32, #tpu.memory_space<hbm>> -> memref<1x5120xf32, #tpu.memory_space<hbm>>
      %dma_wait3A_44 = tpu.memref_squeeze %dma_wait3A : memref<1x5120xf32, #tpu.memory_space<hbm>> -> memref<5120xf32, #tpu.memory_space<hbm>>
      %dma_wait3A_45 = tpu.memref_slice %arg3[%arg0, %mul3A_40] : memref<2x81920xf32, #tpu.memory_space<hbm>> -> memref<1x5120xf32, #tpu.memory_space<hbm>>
      %dma_wait3A_46 = tpu.memref_squeeze %dma_wait3A_45 : memref<1x5120xf32, #tpu.memory_space<hbm>> -> memref<5120xf32, #tpu.memory_space<hbm>>
      tpu.wait_dma2 semaphore(%run_scoped3A : memref<!tpu.dma_semaphore, #tpu.memory_space<semaphore_mem>>) src(%arg9 : memref<5120xf32, #tpu.memory_space<vmem>>) dst(%dma_wait3A_46 : memref<5120xf32, #tpu.memory_space<hbm>>)
      tpu.yield
    }) : () -> ()
    return
  }
}

#map = affine_map<(d0, d1) -> (0, 0)>
#map1 = affine_map<(d0, d1) -> (0, 0, 0)>
module attributes {stable_mosaic.version = 14 : i64} {
  func.func @_sc_scatter(%arg0: i32, %arg1: i32, %arg2: memref<10000x128xf32, #tpu.memory_space<hbm>>, %arg3: memref<2560x125xi32, #tpu.memory_space<hbm>>, %arg4: memref<2560x125xi32, #tpu.memory_space<hbm>>, %arg5: memref<2x10240x128xf32, #tpu.memory_space<hbm>>, %arg6: memref<10240x128xf32, #tpu.memory_space<vmem_shared>>, %arg7: memref<80x125xi32, #tpu.memory_space<vmem>>, %arg8: memref<125xi32, #tpu.memory_space<vmem>>, %arg9: memref<125xi32, #tpu.memory_space<vmem>>, %arg10: memref<125xi32, #tpu.memory_space<vmem>>, %arg11: memref<125xi32, #tpu.memory_space<vmem>>, %arg12: memref<125x128xf32, #tpu.memory_space<vmem>>, %arg13: memref<125x128xf32, #tpu.memory_space<vmem>>, %arg14: memref<!tpu.dma_semaphore, #tpu.memory_space<semaphore_mem>>, %arg15: memref<!tpu.dma_semaphore, #tpu.memory_space<semaphore_mem>>, %arg16: memref<!tpu.dma_semaphore, #tpu.memory_space<semaphore_mem>>, %arg17: memref<!tpu.dma_semaphore, #tpu.memory_space<semaphore_mem>>, %arg18: memref<!tpu.dma_semaphore, #tpu.memory_space<semaphore_mem>>, %arg19: memref<!tpu.dma_semaphore, #tpu.memory_space<semaphore_mem>>, %arg20: memref<!tpu.dma_semaphore, #tpu.memory_space<semaphore_mem>>, %arg21: memref<!tpu.dma_semaphore, #tpu.memory_space<semaphore_mem>>) attributes {dimension_semantics = [#tpu.dimension_semantics<core_parallel>, #tpu.dimension_semantics<subcore_parallel>], iteration_bounds = array<i64: 2, 16>, scalar_prefetch = 0 : i64, scratch_operands = 16 : i64, tpu.core_type = #tpu.core_type<sc_vector_subcore>, window_params = [{transform_indices = #map}, {transform_indices = #map}, {transform_indices = #map}, {transform_indices = #map1}]} {
    %mul3A = arith.constant 16 : i32
    %mul3A_0 = arith.muli %arg0, %mul3A : i32
    %add3A = arith.addi %mul3A_0, %arg1 : i32
    %broadcast_in_dim3A = arith.constant 0.000000e+00 : f32
    %broadcast_in_dim3A_1 = vector.broadcast %broadcast_in_dim3A : f32 to vector<16xf32>
    %scan3A = arith.constant 0 : i32
    %scan3A_2 = arith.constant 0 : i32
    %scan3A_3 = arith.constant 1000 : i32
    %scan3A_4 = arith.addi %scan3A_2, %scan3A_3 : i32
    %scan3A_5 = arith.constant 1 : i32
    scf.for %scan3A_62 = %scan3A_2 to %scan3A_4 step %scan3A_5  : i32 {
      %jit3A = arith.constant 8 : i32
      %div3A = arith.divsi %scan3A_62, %jit3A : i32
      %sign3A = arith.constant 0 : i32
      %sign3A_63 = arith.cmpi sgt, %scan3A_62, %sign3A : i32
      %sign3A_64 = arith.extui %sign3A_63 : i1 to i32
      %sign3A_65 = arith.constant 0 : i32
      %sign3A_66 = arith.cmpi slt, %scan3A_62, %sign3A_65 : i32
      %sign3A_67 = arith.extui %sign3A_66 : i1 to i32
      %sign3A_68 = arith.subi %sign3A_64, %sign3A_67 : i32
      %sign3A_69 = arith.constant 0 : i32
      %sign3A_70 = arith.cmpi sgt, %jit3A, %sign3A_69 : i32
      %sign3A_71 = arith.extui %sign3A_70 : i1 to i32
      %sign3A_72 = arith.constant 0 : i32
      %sign3A_73 = arith.cmpi slt, %jit3A, %sign3A_72 : i32
      %sign3A_74 = arith.extui %sign3A_73 : i1 to i32
      %sign3A_75 = arith.subi %sign3A_71, %sign3A_74 : i32
      %ne3A = arith.cmpi ne, %sign3A_68, %sign3A_75 : i32
      %rem3A = arith.remsi %scan3A_62, %jit3A : i32
      %ne3A_76 = arith.constant 0 : i32
      %ne3A_77 = arith.cmpi ne, %rem3A, %ne3A_76 : i32
      %and3A = arith.andi %ne3A, %ne3A_77 : i1
      %sub3A = arith.constant 1 : i32
      %sub3A_78 = arith.subi %div3A, %sub3A : i32
      %select_n3A = arith.select %and3A, %sub3A_78, %div3A : i32
      %jit3A_79 = arith.constant 8 : i32
      %eq3A = arith.constant 0 : i32
      %eq3A_80 = arith.cmpi eq, %jit3A_79, %eq3A : i32
      %jit3A_81 = arith.constant 1 : i32
      %select_n3A_82 = arith.select %eq3A_80, %jit3A_81, %jit3A_79 : i32
      %rem3A_83 = arith.remsi %scan3A_62, %select_n3A_82 : i32
      %ne3A_84 = arith.constant 0 : i32
      %ne3A_85 = arith.cmpi ne, %rem3A_83, %ne3A_84 : i32
      %lt3A = arith.constant 0 : i32
      %lt3A_86 = arith.cmpi slt, %rem3A_83, %lt3A : i32
      %lt3A_87 = arith.constant 0 : i32
      %lt3A_88 = arith.cmpi slt, %select_n3A_82, %lt3A_87 : i32
      %ne3A_89 = arith.xori %lt3A_86, %lt3A_88 : i1
      %and3A_90 = arith.andi %ne3A_89, %ne3A_85 : i1
      %add3A_91 = arith.addi %rem3A_83, %select_n3A_82 : i32
      %select_n3A_92 = arith.select %and3A_90, %add3A_91, %rem3A_83 : i32
      %mul3A_93 = arith.constant 16 : i32
      %mul3A_94 = arith.muli %select_n3A_92, %mul3A_93 : i32
      %swap3A = arith.index_cast %select_n3A : i32 to index
      %swap3A_95 = arith.index_cast %mul3A_94 : i32 to index
      %swap3A_96 = tpu.vector_load %arg12[%swap3A, %swap3A_95] {strides = array<i32>} : memref<125x128xf32, #tpu.memory_space<vmem>>, vector<1x16xf32>,
      %swap3A_97 = vector.shape_cast %swap3A_96 : vector<1x16xf32> to vector<16xf32>
      %swap3A_98 = vector.shape_cast %broadcast_in_dim3A_1 : vector<16xf32> to vector<1x16xf32>
      tpu.vector_store %arg12[%swap3A, %swap3A_95], %swap3A_98 {strides = array<i32>} : memref<125x128xf32, #tpu.memory_space<vmem>>, vector<1x16xf32>,
    }
    %scan3A_6 = arith.constant 1000 : i32
    %mul3A_7 = arith.constant 640 : i32
    %mul3A_8 = arith.muli %arg1, %mul3A_7 : i32
    %scan3A_9 = arith.constant 0 : i32
    %scan3A_10 = arith.constant 0 : i32
    %scan3A_11 = arith.constant 8 : i32
    %scan3A_12 = arith.addi %scan3A_10, %scan3A_11 : i32
    %scan3A_13 = arith.constant 1 : i32
    scf.for %scan3A_62 = %scan3A_10 to %scan3A_12 step %scan3A_13  : i32 {
      %mul3A_63 = arith.constant 80 : i32
      %mul3A_64 = arith.muli %scan3A_62, %mul3A_63 : i32
      %add3A_65 = arith.addi %mul3A_8, %mul3A_64 : i32
      "tpu.region"() ({
        %run_scoped3A = tpu.sem_alloc : memref<!tpu.dma_semaphore, #tpu.memory_space<semaphore_mem>>
        %dma_start3A_66 = arith.constant 0 : i32
        %dma_start3A_67 = arith.constant 0 : i32
        %dma_start3A_68 = tpu.memref_slice %arg12[%dma_start3A_66, %dma_start3A_67] : memref<125x128xf32, #tpu.memory_space<vmem>> -> memref<80x128xf32, #tpu.memory_space<vmem>>
        %dma_start3A_69 = arith.constant 0 : i32
        %dma_start3A_70 = tpu.memref_slice %arg6[%add3A_65, %dma_start3A_69] : memref<10240x128xf32, #tpu.memory_space<vmem_shared>> -> memref<80x128xf32, #tpu.memory_space<vmem_shared>>
        %dma_start3A_71 = arith.constant 0 : i32
        %dma_start3A_72 = tpu.memref_slice %arg6[%add3A_65, %dma_start3A_71] : memref<10240x128xf32, #tpu.memory_space<vmem_shared>> -> memref<80x128xf32, #tpu.memory_space<vmem_shared>>
        %dma_start3A_73 = arith.constant 0 : i32
        %dma_start3A_74 = arith.constant 0 : i32
        %dma_start3A_75 = tpu.memref_slice %arg12[%dma_start3A_73, %dma_start3A_74] : memref<125x128xf32, #tpu.memory_space<vmem>> -> memref<80x128xf32, #tpu.memory_space<vmem>>
        tpu.enqueue_dma source(%dma_start3A_75 : memref<80x128xf32, #tpu.memory_space<vmem>>) target(%dma_start3A_72 : memref<80x128xf32, #tpu.memory_space<vmem_shared>>) target_semaphore(%run_scoped3A : memref<!tpu.dma_semaphore, #tpu.memory_space<semaphore_mem>>)
        %dma_wait3A_76 = arith.constant 0 : i32
        %dma_wait3A_77 = arith.constant 0 : i32
        %dma_wait3A_78 = tpu.memref_slice %arg12[%dma_wait3A_76, %dma_wait3A_77] : memref<125x128xf32, #tpu.memory_space<vmem>> -> memref<80x128xf32, #tpu.memory_space<vmem>>
        %dma_wait3A_79 = arith.constant 0 : i32
        %dma_wait3A_80 = tpu.memref_slice %arg6[%add3A_65, %dma_wait3A_79] : memref<10240x128xf32, #tpu.memory_space<vmem_shared>> -> memref<80x128xf32, #tpu.memory_space<vmem_shared>>
        %dma_wait3A_81 = arith.constant 0 : i32
        %dma_wait3A_82 = tpu.memref_slice %arg6[%add3A_65, %dma_wait3A_81] : memref<10240x128xf32, #tpu.memory_space<vmem_shared>> -> memref<80x128xf32, #tpu.memory_space<vmem_shared>>
        %dma_wait3A_83 = arith.constant 0 : i32
        %dma_wait3A_84 = arith.constant 0 : i32
        %dma_wait3A_85 = tpu.memref_slice %arg12[%dma_wait3A_83, %dma_wait3A_84] : memref<125x128xf32, #tpu.memory_space<vmem>> -> memref<80x128xf32, #tpu.memory_space<vmem>>
        tpu.wait_dma2 semaphore(%run_scoped3A : memref<!tpu.dma_semaphore, #tpu.memory_space<semaphore_mem>>) src(%dma_wait3A_85 : memref<80x128xf32, #tpu.memory_space<vmem>>) dst(%dma_wait3A_82 : memref<80x128xf32, #tpu.memory_space<vmem_shared>>)
        tpu.yield
      }) : () -> ()
    }
    %scan3A_14 = arith.constant 8 : i32
    %barrier3A = arith.constant 0 : index
    tpu.barrier barrier_id(%barrier3A)
    %mul3A_15 = arith.constant 80 : i32
    %mul3A_16 = arith.muli %add3A, %mul3A_15 : i32
    "tpu.region"() ({
      %run_scoped3A = tpu.sem_alloc : memref<!tpu.dma_semaphore, #tpu.memory_space<semaphore_mem>>
      %dma_start3A_62 = arith.constant 0 : i32
      %dma_start3A_63 = tpu.memref_slice %arg3[%mul3A_16, %dma_start3A_62] : memref<2560x125xi32, #tpu.memory_space<hbm>> -> memref<80x125xi32, #tpu.memory_space<hbm>>
      %dma_start3A_64 = arith.constant 0 : i32
      %dma_start3A_65 = tpu.memref_slice %arg3[%mul3A_16, %dma_start3A_64] : memref<2560x125xi32, #tpu.memory_space<hbm>> -> memref<80x125xi32, #tpu.memory_space<hbm>>
      tpu.enqueue_dma source(%dma_start3A_65 : memref<80x125xi32, #tpu.memory_space<hbm>>) target(%arg7 : memref<80x125xi32, #tpu.memory_space<vmem>>) target_semaphore(%run_scoped3A : memref<!tpu.dma_semaphore, #tpu.memory_space<semaphore_mem>>)
      %dma_wait3A_66 = arith.constant 0 : i32
      %dma_wait3A_67 = tpu.memref_slice %arg3[%mul3A_16, %dma_wait3A_66] : memref<2560x125xi32, #tpu.memory_space<hbm>> -> memref<80x125xi32, #tpu.memory_space<hbm>>
      %dma_wait3A_68 = arith.constant 0 : i32
      %dma_wait3A_69 = tpu.memref_slice %arg3[%mul3A_16, %dma_wait3A_68] : memref<2560x125xi32, #tpu.memory_space<hbm>> -> memref<80x125xi32, #tpu.memory_space<hbm>>
      tpu.wait_dma2 semaphore(%run_scoped3A : memref<!tpu.dma_semaphore, #tpu.memory_space<semaphore_mem>>) src(%dma_wait3A_69 : memref<80x125xi32, #tpu.memory_space<hbm>>) dst(%arg7 : memref<80x125xi32, #tpu.memory_space<vmem>>)
      tpu.yield
    }) : () -> ()
    %add3A_17 = arith.constant 0 : i32
    %add3A_18 = arith.addi %mul3A_16, %add3A_17 : i32
    %dma_start3A = arith.constant 0 : i32
    %dma_start3A_19 = tpu.memref_slice %arg4[%add3A_18, %dma_start3A] : memref<2560x125xi32, #tpu.memory_space<hbm>> -> memref<1x125xi32, #tpu.memory_space<hbm>>
    %dma_start3A_20 = tpu.memref_squeeze %dma_start3A_19 : memref<1x125xi32, #tpu.memory_space<hbm>> -> memref<125xi32, #tpu.memory_space<hbm>>
    %dma_start3A_21 = arith.constant 0 : i32
    %dma_start3A_22 = tpu.memref_slice %arg4[%add3A_18, %dma_start3A_21] : memref<2560x125xi32, #tpu.memory_space<hbm>> -> memref<1x125xi32, #tpu.memory_space<hbm>>
    %dma_start3A_23 = tpu.memref_squeeze %dma_start3A_22 : memref<1x125xi32, #tpu.memory_space<hbm>> -> memref<125xi32, #tpu.memory_space<hbm>>
    tpu.enqueue_dma source(%dma_start3A_23 : memref<125xi32, #tpu.memory_space<hbm>>) target(%arg8 : memref<125xi32, #tpu.memory_space<vmem>>) target_semaphore(%arg18 : memref<!tpu.dma_semaphore, #tpu.memory_space<semaphore_mem>>)
    %add3A_24 = arith.constant 1 : i32
    %add3A_25 = arith.addi %mul3A_16, %add3A_24 : i32
    %dma_start3A_26 = arith.constant 0 : i32
    %dma_start3A_27 = tpu.memref_slice %arg4[%add3A_25, %dma_start3A_26] : memref<2560x125xi32, #tpu.memory_space<hbm>> -> memref<1x125xi32, #tpu.memory_space<hbm>>
    %dma_start3A_28 = tpu.memref_squeeze %dma_start3A_27 : memref<1x125xi32, #tpu.memory_space<hbm>> -> memref<125xi32, #tpu.memory_space<hbm>>
    %dma_start3A_29 = arith.constant 0 : i32
    %dma_start3A_30 = tpu.memref_slice %arg4[%add3A_25, %dma_start3A_29] : memref<2560x125xi32, #tpu.memory_space<hbm>> -> memref<1x125xi32, #tpu.memory_space<hbm>>
    %dma_start3A_31 = tpu.memref_squeeze %dma_start3A_30 : memref<1x125xi32, #tpu.memory_space<hbm>> -> memref<125xi32, #tpu.memory_space<hbm>>
    tpu.enqueue_dma source(%dma_start3A_31 : memref<125xi32, #tpu.memory_space<hbm>>) target(%arg9 : memref<125xi32, #tpu.memory_space<vmem>>) target_semaphore(%arg19 : memref<!tpu.dma_semaphore, #tpu.memory_space<semaphore_mem>>)
    %add3A_32 = arith.constant 2 : i32
    %add3A_33 = arith.addi %mul3A_16, %add3A_32 : i32
    %dma_start3A_34 = arith.constant 0 : i32
    %dma_start3A_35 = tpu.memref_slice %arg4[%add3A_33, %dma_start3A_34] : memref<2560x125xi32, #tpu.memory_space<hbm>> -> memref<1x125xi32, #tpu.memory_space<hbm>>
    %dma_start3A_36 = tpu.memref_squeeze %dma_start3A_35 : memref<1x125xi32, #tpu.memory_space<hbm>> -> memref<125xi32, #tpu.memory_space<hbm>>
    %dma_start3A_37 = arith.constant 0 : i32
    %dma_start3A_38 = tpu.memref_slice %arg4[%add3A_33, %dma_start3A_37] : memref<2560x125xi32, #tpu.memory_space<hbm>> -> memref<1x125xi32, #tpu.memory_space<hbm>>
    %dma_start3A_39 = tpu.memref_squeeze %dma_start3A_38 : memref<1x125xi32, #tpu.memory_space<hbm>> -> memref<125xi32, #tpu.memory_space<hbm>>
    tpu.enqueue_dma source(%dma_start3A_39 : memref<125xi32, #tpu.memory_space<hbm>>) target(%arg10 : memref<125xi32, #tpu.memory_space<vmem>>) target_semaphore(%arg20 : memref<!tpu.dma_semaphore, #tpu.memory_space<semaphore_mem>>)
    %dma_start3A_40 = arith.constant 0 : i32
    %dma_start3A_41 = arith.constant 0 : i32
    %dma_start3A_42 = tpu.memref_slice %arg7[%dma_start3A_40, %dma_start3A_41] : memref<80x125xi32, #tpu.memory_space<vmem>> -> memref<1x125xi32, #tpu.memory_space<vmem>>
    %dma_start3A_43 = tpu.memref_squeeze %dma_start3A_42 : memref<1x125xi32, #tpu.memory_space<vmem>> -> memref<125xi32, #tpu.memory_space<vmem>>
    %dma_start3A_44 = arith.constant 0 : i32
    %dma_start3A_45 = arith.constant 0 : i32
    %dma_start3A_46 = tpu.memref_slice %arg2[%dma_start3A_44, %dma_start3A_45] : memref<10000x128xf32, #tpu.memory_space<hbm>> -> memref<10000x128xf32, #tpu.memory_space<hbm>>
    tpu.enqueue_indirect_dma source(%dma_start3A_46 : memref<10000x128xf32, #tpu.memory_space<hbm>>) target(%arg12 : memref<125x128xf32, #tpu.memory_space<vmem>>) offsets(%dma_start3A_43 : memref<125xi32, #tpu.memory_space<vmem>>) semaphore(%arg14 : memref<!tpu.dma_semaphore, #tpu.memory_space<semaphore_mem>>)
    %dma_wait3A = arith.constant 0 : i32
    %dma_wait3A_47 = tpu.memref_slice %arg4[%mul3A_16, %dma_wait3A] : memref<2560x125xi32, #tpu.memory_space<hbm>> -> memref<1x125xi32, #tpu.memory_space<hbm>>
    %dma_wait3A_48 = tpu.memref_squeeze %dma_wait3A_47 : memref<1x125xi32, #tpu.memory_space<hbm>> -> memref<125xi32, #tpu.memory_space<hbm>>
    %dma_wait3A_49 = arith.constant 0 : i32
    %dma_wait3A_50 = tpu.memref_slice %arg4[%mul3A_16, %dma_wait3A_49] : memref<2560x125xi32, #tpu.memory_space<hbm>> -> memref<1x125xi32, #tpu.memory_space<hbm>>
    %dma_wait3A_51 = tpu.memref_squeeze %dma_wait3A_50 : memref<1x125xi32, #tpu.memory_space<hbm>> -> memref<125xi32, #tpu.memory_space<hbm>>
    tpu.wait_dma2 semaphore(%arg18 : memref<!tpu.dma_semaphore, #tpu.memory_space<semaphore_mem>>) src(%dma_wait3A_51 : memref<125xi32, #tpu.memory_space<hbm>>) dst(%arg8 : memref<125xi32, #tpu.memory_space<vmem>>)
    %scan3A_52 = arith.constant 0 : i32
    %scan3A_53 = arith.constant 0 : i32
    %scan3A_54 = arith.constant 20 : i32
    %scan3A_55 = arith.addi %scan3A_53, %scan3A_54 : i32
    %scan3A_56 = arith.constant 1 : i32
    scf.for %scan3A_62 = %scan3A_53 to %scan3A_55 step %scan3A_56  : i32 {
      %mul3A_63 = arith.constant 4 : i32
      %mul3A_64 = arith.muli %mul3A_63, %scan3A_62 : i32
      %add3A_65 = arith.constant 0 : i32
      %add3A_66 = arith.addi %mul3A_64, %add3A_65 : i32
      %add3A_67 = arith.addi %mul3A_16, %add3A_66 : i32
      %dma_wait3A_68 = arith.constant 0 : i32
      %dma_wait3A_69 = tpu.memref_slice %arg7[%add3A_66, %dma_wait3A_68] : memref<80x125xi32, #tpu.memory_space<vmem>> -> memref<1x125xi32, #tpu.memory_space<vmem>>
      %dma_wait3A_70 = tpu.memref_squeeze %dma_wait3A_69 : memref<1x125xi32, #tpu.memory_space<vmem>> -> memref<125xi32, #tpu.memory_space<vmem>>
      %dma_wait3A_71 = arith.constant 0 : i32
      %dma_wait3A_72 = arith.constant 0 : i32
      %dma_wait3A_73 = tpu.memref_slice %arg2[%dma_wait3A_71, %dma_wait3A_72] : memref<10000x128xf32, #tpu.memory_space<hbm>> -> memref<10000x128xf32, #tpu.memory_space<hbm>>
      tpu.wait_indirect_dma semaphore(%arg14 : memref<!tpu.dma_semaphore, #tpu.memory_space<semaphore_mem>>) src(%dma_wait3A_73 : memref<10000x128xf32, #tpu.memory_space<hbm>>) dst(%arg12 : memref<125x128xf32, #tpu.memory_space<vmem>>)
      %dma_start3A_74 = arith.constant 0 : i32
      %dma_start3A_75 = arith.constant 0 : i32
      %dma_start3A_76 = tpu.memref_slice %arg6[%dma_start3A_74, %dma_start3A_75] : memref<10240x128xf32, #tpu.memory_space<vmem_shared>> -> memref<10240x128xf32, #tpu.memory_space<vmem_shared>>
      tpu.enqueue_indirect_dma source(%arg12 : memref<125x128xf32, #tpu.memory_space<vmem>>) target(%dma_start3A_76 : memref<10240x128xf32, #tpu.memory_space<vmem_shared>>) offsets(%arg8 : memref<125xi32, #tpu.memory_space<vmem>>) semaphore(%arg16 : memref<!tpu.dma_semaphore, #tpu.memory_space<semaphore_mem>>) {add = true}
      %gt3A = arith.constant 0 : i32
      %gt3A_77 = arith.cmpi sgt, %scan3A_62, %gt3A : i32
      %convert_element_type3A = arith.extui %gt3A_77 : i1 to i32
      %cond3A = arith.constant 0 : i32
      %cond3A_78 = arith.cmpi ne, %convert_element_type3A, %cond3A : i32
      scf.if %cond3A_78 {
        %dma_wait3A_185 = arith.constant 0 : i32
        %dma_wait3A_186 = arith.constant 0 : i32
        %dma_wait3A_187 = tpu.memref_slice %arg6[%dma_wait3A_185, %dma_wait3A_186] : memref<10240x128xf32, #tpu.memory_space<vmem_shared>> -> memref<10240x128xf32, #tpu.memory_space<vmem_shared>>
        tpu.wait_indirect_dma semaphore(%arg17 : memref<!tpu.dma_semaphore, #tpu.memory_space<semaphore_mem>>) src(%arg13 : memref<125x128xf32, #tpu.memory_space<vmem>>) dst(%dma_wait3A_187 : memref<10240x128xf32, #tpu.memory_space<vmem_shared>>)
      } else {
      }
      %add3A_79 = arith.constant 1 : i32
      %add3A_80 = arith.addi %add3A_66, %add3A_79 : i32
      %lt3A = arith.constant 80 : i32
      %lt3A_81 = arith.cmpi slt, %add3A_80, %lt3A : i32
      %convert_element_type3A_82 = arith.extui %lt3A_81 : i1 to i32
      %cond3A_83 = arith.constant 0 : i32
      %cond3A_84 = arith.cmpi ne, %convert_element_type3A_82, %cond3A_83 : i32
      scf.if %cond3A_84 {
        %add3A_185 = arith.constant 1 : i32
        %add3A_186 = arith.addi %add3A_67, %add3A_185 : i32
        %dma_wait3A_187 = arith.constant 0 : i32
        %dma_wait3A_188 = tpu.memref_slice %arg4[%add3A_186, %dma_wait3A_187] : memref<2560x125xi32, #tpu.memory_space<hbm>> -> memref<1x125xi32, #tpu.memory_space<hbm>>
        %dma_wait3A_189 = tpu.memref_squeeze %dma_wait3A_188 : memref<1x125xi32, #tpu.memory_space<hbm>> -> memref<125xi32, #tpu.memory_space<hbm>>
        %dma_wait3A_190 = arith.constant 0 : i32
        %dma_wait3A_191 = tpu.memref_slice %arg4[%add3A_186, %dma_wait3A_190] : memref<2560x125xi32, #tpu.memory_space<hbm>> -> memref<1x125xi32, #tpu.memory_space<hbm>>
        %dma_wait3A_192 = tpu.memref_squeeze %dma_wait3A_191 : memref<1x125xi32, #tpu.memory_space<hbm>> -> memref<125xi32, #tpu.memory_space<hbm>>
        tpu.wait_dma2 semaphore(%arg19 : memref<!tpu.dma_semaphore, #tpu.memory_space<semaphore_mem>>) src(%dma_wait3A_192 : memref<125xi32, #tpu.memory_space<hbm>>) dst(%arg9 : memref<125xi32, #tpu.memory_space<vmem>>)
        %add3A_193 = arith.constant 1 : i32
        %add3A_194 = arith.addi %add3A_66, %add3A_193 : i32
        %dma_start3A_195 = arith.constant 0 : i32
        %dma_start3A_196 = tpu.memref_slice %arg7[%add3A_194, %dma_start3A_195] : memref<80x125xi32, #tpu.memory_space<vmem>> -> memref<1x125xi32, #tpu.memory_space<vmem>>
        %dma_start3A_197 = tpu.memref_squeeze %dma_start3A_196 : memref<1x125xi32, #tpu.memory_space<vmem>> -> memref<125xi32, #tpu.memory_space<vmem>>
        %dma_start3A_198 = arith.constant 0 : i32
        %dma_start3A_199 = arith.constant 0 : i32
        %dma_start3A_200 = tpu.memref_slice %arg2[%dma_start3A_198, %dma_start3A_199] : memref<10000x128xf32, #tpu.memory_space<hbm>> -> memref<10000x128xf32, #tpu.memory_space<hbm>>
        tpu.enqueue_indirect_dma source(%dma_start3A_200 : memref<10000x128xf32, #tpu.memory_space<hbm>>) target(%arg13 : memref<125x128xf32, #tpu.memory_space<vmem>>) offsets(%dma_start3A_197 : memref<125xi32, #tpu.memory_space<vmem>>) semaphore(%arg15 : memref<!tpu.dma_semaphore, #tpu.memory_space<semaphore_mem>>)
      } else {
      }
      %add3A_85 = arith.constant 3 : i32
      %add3A_86 = arith.addi %add3A_66, %add3A_85 : i32
      %lt3A_87 = arith.constant 80 : i32
      %lt3A_88 = arith.cmpi slt, %add3A_86, %lt3A_87 : i32
      %convert_element_type3A_89 = arith.extui %lt3A_88 : i1 to i32
      %cond3A_90 = arith.constant 0 : i32
      %cond3A_91 = arith.cmpi ne, %convert_element_type3A_89, %cond3A_90 : i32
      scf.if %cond3A_91 {
        %add3A_185 = arith.constant 3 : i32
        %add3A_186 = arith.addi %add3A_67, %add3A_185 : i32
        %dma_start3A_187 = arith.constant 0 : i32
        %dma_start3A_188 = tpu.memref_slice %arg4[%add3A_186, %dma_start3A_187] : memref<2560x125xi32, #tpu.memory_space<hbm>> -> memref<1x125xi32, #tpu.memory_space<hbm>>
        %dma_start3A_189 = tpu.memref_squeeze %dma_start3A_188 : memref<1x125xi32, #tpu.memory_space<hbm>> -> memref<125xi32, #tpu.memory_space<hbm>>
        %dma_start3A_190 = arith.constant 0 : i32
        %dma_start3A_191 = tpu.memref_slice %arg4[%add3A_186, %dma_start3A_190] : memref<2560x125xi32, #tpu.memory_space<hbm>> -> memref<1x125xi32, #tpu.memory_space<hbm>>
        %dma_start3A_192 = tpu.memref_squeeze %dma_start3A_191 : memref<1x125xi32, #tpu.memory_space<hbm>> -> memref<125xi32, #tpu.memory_space<hbm>>
        tpu.enqueue_dma source(%dma_start3A_192 : memref<125xi32, #tpu.memory_space<hbm>>) target(%arg11 : memref<125xi32, #tpu.memory_space<vmem>>) target_semaphore(%arg21 : memref<!tpu.dma_semaphore, #tpu.memory_space<semaphore_mem>>)
      } else {
      }
      %mul3A_92 = arith.constant 4 : i32
      %mul3A_93 = arith.muli %mul3A_92, %scan3A_62 : i32
      %add3A_94 = arith.constant 1 : i32
      %add3A_95 = arith.addi %mul3A_93, %add3A_94 : i32
      %add3A_96 = arith.addi %mul3A_16, %add3A_95 : i32
      %dma_wait3A_97 = arith.constant 0 : i32
      %dma_wait3A_98 = tpu.memref_slice %arg7[%add3A_95, %dma_wait3A_97] : memref<80x125xi32, #tpu.memory_space<vmem>> -> memref<1x125xi32, #tpu.memory_space<vmem>>
      %dma_wait3A_99 = tpu.memref_squeeze %dma_wait3A_98 : memref<1x125xi32, #tpu.memory_space<vmem>> -> memref<125xi32, #tpu.memory_space<vmem>>
      %dma_wait3A_100 = arith.constant 0 : i32
      %dma_wait3A_101 = arith.constant 0 : i32
      %dma_wait3A_102 = tpu.memref_slice %arg2[%dma_wait3A_100, %dma_wait3A_101] : memref<10000x128xf32, #tpu.memory_space<hbm>> -> memref<10000x128xf32, #tpu.memory_space<hbm>>
      tpu.wait_indirect_dma semaphore(%arg15 : memref<!tpu.dma_semaphore, #tpu.memory_space<semaphore_mem>>) src(%dma_wait3A_102 : memref<10000x128xf32, #tpu.memory_space<hbm>>) dst(%arg13 : memref<125x128xf32, #tpu.memory_space<vmem>>)
      %dma_start3A_103 = arith.constant 0 : i32
      %dma_start3A_104 = arith.constant 0 : i32
      %dma_start3A_105 = tpu.memref_slice %arg6[%dma_start3A_103, %dma_start3A_104] : memref<10240x128xf32, #tpu.memory_space<vmem_shared>> -> memref<10240x128xf32, #tpu.memory_space<vmem_shared>>
      tpu.enqueue_indirect_dma source(%arg13 : memref<125x128xf32, #tpu.memory_space<vmem>>) target(%dma_start3A_105 : memref<10240x128xf32, #tpu.memory_space<vmem_shared>>) offsets(%arg9 : memref<125xi32, #tpu.memory_space<vmem>>) semaphore(%arg17 : memref<!tpu.dma_semaphore, #tpu.memory_space<semaphore_mem>>) {add = true}
      %dma_wait3A_106 = arith.constant 0 : i32
      %dma_wait3A_107 = arith.constant 0 : i32
      %dma_wait3A_108 = tpu.memref_slice %arg6[%dma_wait3A_106, %dma_wait3A_107] : memref<10240x128xf32, #tpu.memory_space<vmem_shared>> -> memref<10240x128xf32, #tpu.memory_space<vmem_shared>>
      tpu.wait_indirect_dma semaphore(%arg16 : memref<!tpu.dma_semaphore, #tpu.memory_space<semaphore_mem>>) src(%arg12 : memref<125x128xf32, #tpu.memory_space<vmem>>) dst(%dma_wait3A_108 : memref<10240x128xf32, #tpu.memory_space<vmem_shared>>)
      %add3A_109 = arith.constant 1 : i32
      %add3A_110 = arith.addi %add3A_95, %add3A_109 : i32
      %lt3A_111 = arith.constant 80 : i32
      %lt3A_112 = arith.cmpi slt, %add3A_110, %lt3A_111 : i32
      %convert_element_type3A_113 = arith.extui %lt3A_112 : i1 to i32
      %cond3A_114 = arith.constant 0 : i32
      %cond3A_115 = arith.cmpi ne, %convert_element_type3A_113, %cond3A_114 : i32
      scf.if %cond3A_115 {
        %add3A_185 = arith.constant 1 : i32
        %add3A_186 = arith.addi %add3A_96, %add3A_185 : i32
        %dma_wait3A_187 = arith.constant 0 : i32
        %dma_wait3A_188 = tpu.memref_slice %arg4[%add3A_186, %dma_wait3A_187] : memref<2560x125xi32, #tpu.memory_space<hbm>> -> memref<1x125xi32, #tpu.memory_space<hbm>>
        %dma_wait3A_189 = tpu.memref_squeeze %dma_wait3A_188 : memref<1x125xi32, #tpu.memory_space<hbm>> -> memref<125xi32, #tpu.memory_space<hbm>>
        %dma_wait3A_190 = arith.constant 0 : i32
        %dma_wait3A_191 = tpu.memref_slice %arg4[%add3A_186, %dma_wait3A_190] : memref<2560x125xi32, #tpu.memory_space<hbm>> -> memref<1x125xi32, #tpu.memory_space<hbm>>
        %dma_wait3A_192 = tpu.memref_squeeze %dma_wait3A_191 : memref<1x125xi32, #tpu.memory_space<hbm>> -> memref<125xi32, #tpu.memory_space<hbm>>
        tpu.wait_dma2 semaphore(%arg20 : memref<!tpu.dma_semaphore, #tpu.memory_space<semaphore_mem>>) src(%dma_wait3A_192 : memref<125xi32, #tpu.memory_space<hbm>>) dst(%arg10 : memref<125xi32, #tpu.memory_space<vmem>>)
        %add3A_193 = arith.constant 1 : i32
        %add3A_194 = arith.addi %add3A_95, %add3A_193 : i32
        %dma_start3A_195 = arith.constant 0 : i32
        %dma_start3A_196 = tpu.memref_slice %arg7[%add3A_194, %dma_start3A_195] : memref<80x125xi32, #tpu.memory_space<vmem>> -> memref<1x125xi32, #tpu.memory_space<vmem>>
        %dma_start3A_197 = tpu.memref_squeeze %dma_start3A_196 : memref<1x125xi32, #tpu.memory_space<vmem>> -> memref<125xi32, #tpu.memory_space<vmem>>
        %dma_start3A_198 = arith.constant 0 : i32
        %dma_start3A_199 = arith.constant 0 : i32
        %dma_start3A_200 = tpu.memref_slice %arg2[%dma_start3A_198, %dma_start3A_199] : memref<10000x128xf32, #tpu.memory_space<hbm>> -> memref<10000x128xf32, #tpu.memory_space<hbm>>
        tpu.enqueue_indirect_dma source(%dma_start3A_200 : memref<10000x128xf32, #tpu.memory_space<hbm>>) target(%arg12 : memref<125x128xf32, #tpu.memory_space<vmem>>) offsets(%dma_start3A_197 : memref<125xi32, #tpu.memory_space<vmem>>) semaphore(%arg14 : memref<!tpu.dma_semaphore, #tpu.memory_space<semaphore_mem>>)
      } else {
      }
      %add3A_116 = arith.constant 3 : i32
      %add3A_117 = arith.addi %add3A_95, %add3A_116 : i32
      %lt3A_118 = arith.constant 80 : i32
      %lt3A_119 = arith.cmpi slt, %add3A_117, %lt3A_118 : i32
      %convert_element_type3A_120 = arith.extui %lt3A_119 : i1 to i32
      %cond3A_121 = arith.constant 0 : i32
      %cond3A_122 = arith.cmpi ne, %convert_element_type3A_120, %cond3A_121 : i32
      scf.if %cond3A_122 {
        %add3A_185 = arith.constant 3 : i32
        %add3A_186 = arith.addi %add3A_96, %add3A_185 : i32
        %dma_start3A_187 = arith.constant 0 : i32
        %dma_start3A_188 = tpu.memref_slice %arg4[%add3A_186, %dma_start3A_187] : memref<2560x125xi32, #tpu.memory_space<hbm>> -> memref<1x125xi32, #tpu.memory_space<hbm>>
        %dma_start3A_189 = tpu.memref_squeeze %dma_start3A_188 : memref<1x125xi32, #tpu.memory_space<hbm>> -> memref<125xi32, #tpu.memory_space<hbm>>
        %dma_start3A_190 = arith.constant 0 : i32
        %dma_start3A_191 = tpu.memref_slice %arg4[%add3A_186, %dma_start3A_190] : memref<2560x125xi32, #tpu.memory_space<hbm>> -> memref<1x125xi32, #tpu.memory_space<hbm>>
        %dma_start3A_192 = tpu.memref_squeeze %dma_start3A_191 : memref<1x125xi32, #tpu.memory_space<hbm>> -> memref<125xi32, #tpu.memory_space<hbm>>
        tpu.enqueue_dma source(%dma_start3A_192 : memref<125xi32, #tpu.memory_space<hbm>>) target(%arg8 : memref<125xi32, #tpu.memory_space<vmem>>) target_semaphore(%arg18 : memref<!tpu.dma_semaphore, #tpu.memory_space<semaphore_mem>>)
      } else {
      }
      %mul3A_123 = arith.constant 4 : i32
      %mul3A_124 = arith.muli %mul3A_123, %scan3A_62 : i32
      %add3A_125 = arith.constant 2 : i32
      %add3A_126 = arith.addi %mul3A_124, %add3A_125 : i32
      %add3A_127 = arith.addi %mul3A_16, %add3A_126 : i32
      %dma_wait3A_128 = arith.constant 0 : i32
      %dma_wait3A_129 = tpu.memref_slice %arg7[%add3A_126, %dma_wait3A_128] : memref<80x125xi32, #tpu.memory_space<vmem>> -> memref<1x125xi32, #tpu.memory_space<vmem>>
      %dma_wait3A_130 = tpu.memref_squeeze %dma_wait3A_129 : memref<1x125xi32, #tpu.memory_space<vmem>> -> memref<125xi32, #tpu.memory_space<vmem>>
      %dma_wait3A_131 = arith.constant 0 : i32
      %dma_wait3A_132 = arith.constant 0 : i32
      %dma_wait3A_133 = tpu.memref_slice %arg2[%dma_wait3A_131, %dma_wait3A_132] : memref<10000x128xf32, #tpu.memory_space<hbm>> -> memref<10000x128xf32, #tpu.memory_space<hbm>>
      tpu.wait_indirect_dma semaphore(%arg14 : memref<!tpu.dma_semaphore, #tpu.memory_space<semaphore_mem>>) src(%dma_wait3A_133 : memref<10000x128xf32, #tpu.memory_space<hbm>>) dst(%arg12 : memref<125x128xf32, #tpu.memory_space<vmem>>)
      %dma_start3A_134 = arith.constant 0 : i32
      %dma_start3A_135 = arith.constant 0 : i32
      %dma_start3A_136 = tpu.memref_slice %arg6[%dma_start3A_134, %dma_start3A_135] : memref<10240x128xf32, #tpu.memory_space<vmem_shared>> -> memref<10240x128xf32, #tpu.memory_space<vmem_shared>>
      tpu.enqueue_indirect_dma source(%arg12 : memref<125x128xf32, #tpu.memory_space<vmem>>) target(%dma_start3A_136 : memref<10240x128xf32, #tpu.memory_space<vmem_shared>>) offsets(%arg10 : memref<125xi32, #tpu.memory_space<vmem>>) semaphore(%arg16 : memref<!tpu.dma_semaphore, #tpu.memory_space<semaphore_mem>>) {add = true}
      %dma_wait3A_137 = arith.constant 0 : i32
      %dma_wait3A_138 = arith.constant 0 : i32
      %dma_wait3A_139 = tpu.memref_slice %arg6[%dma_wait3A_137, %dma_wait3A_138] : memref<10240x128xf32, #tpu.memory_space<vmem_shared>> -> memref<10240x128xf32, #tpu.memory_space<vmem_shared>>
      tpu.wait_indirect_dma semaphore(%arg17 : memref<!tpu.dma_semaphore, #tpu.memory_space<semaphore_mem>>) src(%arg13 : memref<125x128xf32, #tpu.memory_space<vmem>>) dst(%dma_wait3A_139 : memref<10240x128xf32, #tpu.memory_space<vmem_shared>>)
      %add3A_140 = arith.constant 1 : i32
      %add3A_141 = arith.addi %add3A_126, %add3A_140 : i32
      %lt3A_142 = arith.constant 80 : i32
      %lt3A_143 = arith.cmpi slt, %add3A_141, %lt3A_142 : i32
      %convert_element_type3A_144 = arith.extui %lt3A_143 : i1 to i32
      %cond3A_145 = arith.constant 0 : i32
      %cond3A_146 = arith.cmpi ne, %convert_element_type3A_144, %cond3A_145 : i32
      scf.if %cond3A_146 {
        %add3A_185 = arith.constant 1 : i32
        %add3A_186 = arith.addi %add3A_127, %add3A_185 : i32
        %dma_wait3A_187 = arith.constant 0 : i32
        %dma_wait3A_188 = tpu.memref_slice %arg4[%add3A_186, %dma_wait3A_187] : memref<2560x125xi32, #tpu.memory_space<hbm>> -> memref<1x125xi32, #tpu.memory_space<hbm>>
        %dma_wait3A_189 = tpu.memref_squeeze %dma_wait3A_188 : memref<1x125xi32, #tpu.memory_space<hbm>> -> memref<125xi32, #tpu.memory_space<hbm>>
        %dma_wait3A_190 = arith.constant 0 : i32
        %dma_wait3A_191 = tpu.memref_slice %arg4[%add3A_186, %dma_wait3A_190] : memref<2560x125xi32, #tpu.memory_space<hbm>> -> memref<1x125xi32, #tpu.memory_space<hbm>>
        %dma_wait3A_192 = tpu.memref_squeeze %dma_wait3A_191 : memref<1x125xi32, #tpu.memory_space<hbm>> -> memref<125xi32, #tpu.memory_space<hbm>>
        tpu.wait_dma2 semaphore(%arg21 : memref<!tpu.dma_semaphore, #tpu.memory_space<semaphore_mem>>) src(%dma_wait3A_192 : memref<125xi32, #tpu.memory_space<hbm>>) dst(%arg11 : memref<125xi32, #tpu.memory_space<vmem>>)
        %add3A_193 = arith.constant 1 : i32
        %add3A_194 = arith.addi %add3A_126, %add3A_193 : i32
        %dma_start3A_195 = arith.constant 0 : i32
        %dma_start3A_196 = tpu.memref_slice %arg7[%add3A_194, %dma_start3A_195] : memref<80x125xi32, #tpu.memory_space<vmem>> -> memref<1x125xi32, #tpu.memory_space<vmem>>
        %dma_start3A_197 = tpu.memref_squeeze %dma_start3A_196 : memref<1x125xi32, #tpu.memory_space<vmem>> -> memref<125xi32, #tpu.memory_space<vmem>>
        %dma_start3A_198 = arith.constant 0 : i32
        %dma_start3A_199 = arith.constant 0 : i32
        %dma_start3A_200 = tpu.memref_slice %arg2[%dma_start3A_198, %dma_start3A_199] : memref<10000x128xf32, #tpu.memory_space<hbm>> -> memref<10000x128xf32, #tpu.memory_space<hbm>>
        tpu.enqueue_indirect_dma source(%dma_start3A_200 : memref<10000x128xf32, #tpu.memory_space<hbm>>) target(%arg13 : memref<125x128xf32, #tpu.memory_space<vmem>>) offsets(%dma_start3A_197 : memref<125xi32, #tpu.memory_space<vmem>>) semaphore(%arg15 : memref<!tpu.dma_semaphore, #tpu.memory_space<semaphore_mem>>)
      } else {
      }
      %add3A_147 = arith.constant 3 : i32
      %add3A_148 = arith.addi %add3A_126, %add3A_147 : i32
      %lt3A_149 = arith.constant 80 : i32
      %lt3A_150 = arith.cmpi slt, %add3A_148, %lt3A_149 : i32
      %convert_element_type3A_151 = arith.extui %lt3A_150 : i1 to i32
      %cond3A_152 = arith.constant 0 : i32
      %cond3A_153 = arith.cmpi ne, %convert_element_type3A_151, %cond3A_152 : i32
      scf.if %cond3A_153 {
        %add3A_185 = arith.constant 3 : i32
        %add3A_186 = arith.addi %add3A_127, %add3A_185 : i32
        %dma_start3A_187 = arith.constant 0 : i32
        %dma_start3A_188 = tpu.memref_slice %arg4[%add3A_186, %dma_start3A_187] : memref<2560x125xi32, #tpu.memory_space<hbm>> -> memref<1x125xi32, #tpu.memory_space<hbm>>
        %dma_start3A_189 = tpu.memref_squeeze %dma_start3A_188 : memref<1x125xi32, #tpu.memory_space<hbm>> -> memref<125xi32, #tpu.memory_space<hbm>>
        %dma_start3A_190 = arith.constant 0 : i32
        %dma_start3A_191 = tpu.memref_slice %arg4[%add3A_186, %dma_start3A_190] : memref<2560x125xi32, #tpu.memory_space<hbm>> -> memref<1x125xi32, #tpu.memory_space<hbm>>
        %dma_start3A_192 = tpu.memref_squeeze %dma_start3A_191 : memref<1x125xi32, #tpu.memory_space<hbm>> -> memref<125xi32, #tpu.memory_space<hbm>>
        tpu.enqueue_dma source(%dma_start3A_192 : memref<125xi32, #tpu.memory_space<hbm>>) target(%arg9 : memref<125xi32, #tpu.memory_space<vmem>>) target_semaphore(%arg19 : memref<!tpu.dma_semaphore, #tpu.memory_space<semaphore_mem>>)
      } else {
      }
      %mul3A_154 = arith.constant 4 : i32
      %mul3A_155 = arith.muli %mul3A_154, %scan3A_62 : i32
      %add3A_156 = arith.constant 3 : i32
      %add3A_157 = arith.addi %mul3A_155, %add3A_156 : i32
      %add3A_158 = arith.addi %mul3A_16, %add3A_157 : i32
      %dma_wait3A_159 = arith.constant 0 : i32
      %dma_wait3A_160 = tpu.memref_slice %arg7[%add3A_157, %dma_wait3A_159] : memref<80x125xi32, #tpu.memory_space<vmem>> -> memref<1x125xi32, #tpu.memory_space<vmem>>
      %dma_wait3A_161 = tpu.memref_squeeze %dma_wait3A_160 : memref<1x125xi32, #tpu.memory_space<vmem>> -> memref<125xi32, #tpu.memory_space<vmem>>
      %dma_wait3A_162 = arith.constant 0 : i32
      %dma_wait3A_163 = arith.constant 0 : i32
      %dma_wait3A_164 = tpu.memref_slice %arg2[%dma_wait3A_162, %dma_wait3A_163] : memref<10000x128xf32, #tpu.memory_space<hbm>> -> memref<10000x128xf32, #tpu.memory_space<hbm>>
      tpu.wait_indirect_dma semaphore(%arg15 : memref<!tpu.dma_semaphore, #tpu.memory_space<semaphore_mem>>) src(%dma_wait3A_164 : memref<10000x128xf32, #tpu.memory_space<hbm>>) dst(%arg13 : memref<125x128xf32, #tpu.memory_space<vmem>>)
      %dma_start3A_165 = arith.constant 0 : i32
      %dma_start3A_166 = arith.constant 0 : i32
      %dma_start3A_167 = tpu.memref_slice %arg6[%dma_start3A_165, %dma_start3A_166] : memref<10240x128xf32, #tpu.memory_space<vmem_shared>> -> memref<10240x128xf32, #tpu.memory_space<vmem_shared>>
      tpu.enqueue_indirect_dma source(%arg13 : memref<125x128xf32, #tpu.memory_space<vmem>>) target(%dma_start3A_167 : memref<10240x128xf32, #tpu.memory_space<vmem_shared>>) offsets(%arg11 : memref<125xi32, #tpu.memory_space<vmem>>) semaphore(%arg17 : memref<!tpu.dma_semaphore, #tpu.memory_space<semaphore_mem>>) {add = true}
      %dma_wait3A_168 = arith.constant 0 : i32
      %dma_wait3A_169 = arith.constant 0 : i32
      %dma_wait3A_170 = tpu.memref_slice %arg6[%dma_wait3A_168, %dma_wait3A_169] : memref<10240x128xf32, #tpu.memory_space<vmem_shared>> -> memref<10240x128xf32, #tpu.memory_space<vmem_shared>>
      tpu.wait_indirect_dma semaphore(%arg16 : memref<!tpu.dma_semaphore, #tpu.memory_space<semaphore_mem>>) src(%arg12 : memref<125x128xf32, #tpu.memory_space<vmem>>) dst(%dma_wait3A_170 : memref<10240x128xf32, #tpu.memory_space<vmem_shared>>)
      %add3A_171 = arith.constant 1 : i32
      %add3A_172 = arith.addi %add3A_157, %add3A_171 : i32
      %lt3A_173 = arith.constant 80 : i32
      %lt3A_174 = arith.cmpi slt, %add3A_172, %lt3A_173 : i32
      %convert_element_type3A_175 = arith.extui %lt3A_174 : i1 to i32
      %cond3A_176 = arith.constant 0 : i32
      %cond3A_177 = arith.cmpi ne, %convert_element_type3A_175, %cond3A_176 : i32
      scf.if %cond3A_177 {
        %add3A_185 = arith.constant 1 : i32
        %add3A_186 = arith.addi %add3A_158, %add3A_185 : i32
        %dma_wait3A_187 = arith.constant 0 : i32
        %dma_wait3A_188 = tpu.memref_slice %arg4[%add3A_186, %dma_wait3A_187] : memref<2560x125xi32, #tpu.memory_space<hbm>> -> memref<1x125xi32, #tpu.memory_space<hbm>>
        %dma_wait3A_189 = tpu.memref_squeeze %dma_wait3A_188 : memref<1x125xi32, #tpu.memory_space<hbm>> -> memref<125xi32, #tpu.memory_space<hbm>>
        %dma_wait3A_190 = arith.constant 0 : i32
        %dma_wait3A_191 = tpu.memref_slice %arg4[%add3A_186, %dma_wait3A_190] : memref<2560x125xi32, #tpu.memory_space<hbm>> -> memref<1x125xi32, #tpu.memory_space<hbm>>
        %dma_wait3A_192 = tpu.memref_squeeze %dma_wait3A_191 : memref<1x125xi32, #tpu.memory_space<hbm>> -> memref<125xi32, #tpu.memory_space<hbm>>
        tpu.wait_dma2 semaphore(%arg18 : memref<!tpu.dma_semaphore, #tpu.memory_space<semaphore_mem>>) src(%dma_wait3A_192 : memref<125xi32, #tpu.memory_space<hbm>>) dst(%arg8 : memref<125xi32, #tpu.memory_space<vmem>>)
        %add3A_193 = arith.constant 1 : i32
        %add3A_194 = arith.addi %add3A_157, %add3A_193 : i32
        %dma_start3A_195 = arith.constant 0 : i32
        %dma_start3A_196 = tpu.memref_slice %arg7[%add3A_194, %dma_start3A_195] : memref<80x125xi32, #tpu.memory_space<vmem>> -> memref<1x125xi32, #tpu.memory_space<vmem>>
        %dma_start3A_197 = tpu.memref_squeeze %dma_start3A_196 : memref<1x125xi32, #tpu.memory_space<vmem>> -> memref<125xi32, #tpu.memory_space<vmem>>
        %dma_start3A_198 = arith.constant 0 : i32
        %dma_start3A_199 = arith.constant 0 : i32
        %dma_start3A_200 = tpu.memref_slice %arg2[%dma_start3A_198, %dma_start3A_199] : memref<10000x128xf32, #tpu.memory_space<hbm>> -> memref<10000x128xf32, #tpu.memory_space<hbm>>
        tpu.enqueue_indirect_dma source(%dma_start3A_200 : memref<10000x128xf32, #tpu.memory_space<hbm>>) target(%arg12 : memref<125x128xf32, #tpu.memory_space<vmem>>) offsets(%dma_start3A_197 : memref<125xi32, #tpu.memory_space<vmem>>) semaphore(%arg14 : memref<!tpu.dma_semaphore, #tpu.memory_space<semaphore_mem>>)
      } else {
      }
      %add3A_178 = arith.constant 3 : i32
      %add3A_179 = arith.addi %add3A_157, %add3A_178 : i32
      %lt3A_180 = arith.constant 80 : i32
      %lt3A_181 = arith.cmpi slt, %add3A_179, %lt3A_180 : i32
      %convert_element_type3A_182 = arith.extui %lt3A_181 : i1 to i32
      %cond3A_183 = arith.constant 0 : i32
      %cond3A_184 = arith.cmpi ne, %convert_element_type3A_182, %cond3A_183 : i32
      scf.if %cond3A_184 {
        %add3A_185 = arith.constant 3 : i32
        %add3A_186 = arith.addi %add3A_158, %add3A_185 : i32
        %dma_start3A_187 = arith.constant 0 : i32
        %dma_start3A_188 = tpu.memref_slice %arg4[%add3A_186, %dma_start3A_187] : memref<2560x125xi32, #tpu.memory_space<hbm>> -> memref<1x125xi32, #tpu.memory_space<hbm>>
        %dma_start3A_189 = tpu.memref_squeeze %dma_start3A_188 : memref<1x125xi32, #tpu.memory_space<hbm>> -> memref<125xi32, #tpu.memory_space<hbm>>
        %dma_start3A_190 = arith.constant 0 : i32
        %dma_start3A_191 = tpu.memref_slice %arg4[%add3A_186, %dma_start3A_190] : memref<2560x125xi32, #tpu.memory_space<hbm>> -> memref<1x125xi32, #tpu.memory_space<hbm>>
        %dma_start3A_192 = tpu.memref_squeeze %dma_start3A_191 : memref<1x125xi32, #tpu.memory_space<hbm>> -> memref<125xi32, #tpu.memory_space<hbm>>
        tpu.enqueue_dma source(%dma_start3A_192 : memref<125xi32, #tpu.memory_space<hbm>>) target(%arg10 : memref<125xi32, #tpu.memory_space<vmem>>) target_semaphore(%arg20 : memref<!tpu.dma_semaphore, #tpu.memory_space<semaphore_mem>>)
      } else {
      }
    }
    %scan3A_57 = arith.constant 20 : i32
    %dma_wait3A_58 = arith.constant 0 : i32
    %dma_wait3A_59 = arith.constant 0 : i32
    %dma_wait3A_60 = tpu.memref_slice %arg6[%dma_wait3A_58, %dma_wait3A_59] : memref<10240x128xf32, #tpu.memory_space<vmem_shared>> -> memref<10240x128xf32, #tpu.memory_space<vmem_shared>>
    tpu.wait_indirect_dma semaphore(%arg17 : memref<!tpu.dma_semaphore, #tpu.memory_space<semaphore_mem>>) src(%arg13 : memref<125x128xf32, #tpu.memory_space<vmem>>) dst(%dma_wait3A_60 : memref<10240x128xf32, #tpu.memory_space<vmem_shared>>)
    %barrier3A_61 = arith.constant 0 : index
    tpu.barrier barrier_id(%barrier3A_61)
    "tpu.region"() ({
      %run_scoped3A = tpu.sem_alloc : memref<!tpu.dma_semaphore, #tpu.memory_space<semaphore_mem>>
      %dma_start3A_62 = arith.constant 0 : i32
      %dma_start3A_63 = arith.constant 0 : i32
      %dma_start3A_64 = tpu.memref_slice %arg5[%arg0, %dma_start3A_62, %dma_start3A_63] : memref<2x10240x128xf32, #tpu.memory_space<hbm>> -> memref<1x10240x128xf32, #tpu.memory_space<hbm>>
      %dma_start3A_65 = tpu.memref_squeeze %dma_start3A_64 : memref<1x10240x128xf32, #tpu.memory_space<hbm>> -> memref<10240x128xf32, #tpu.memory_space<hbm>>
      %dma_start3A_66 = arith.constant 0 : i32
      %dma_start3A_67 = tpu.memref_slice %dma_start3A_65[%mul3A_8, %dma_start3A_66] : memref<10240x128xf32, #tpu.memory_space<hbm>> -> memref<640x128xf32, #tpu.memory_space<hbm>>
      %dma_start3A_68 = arith.constant 0 : i32
      %dma_start3A_69 = tpu.memref_slice %arg6[%mul3A_8, %dma_start3A_68] : memref<10240x128xf32, #tpu.memory_space<vmem_shared>> -> memref<640x128xf32, #tpu.memory_space<vmem_shared>>
      tpu.enqueue_dma source(%dma_start3A_69 : memref<640x128xf32, #tpu.memory_space<vmem_shared>>) target(%dma_start3A_67 : memref<640x128xf32, #tpu.memory_space<hbm>>) target_semaphore(%run_scoped3A : memref<!tpu.dma_semaphore, #tpu.memory_space<semaphore_mem>>)
      %dma_wait3A_70 = arith.constant 0 : i32
      %dma_wait3A_71 = arith.constant 0 : i32
      %dma_wait3A_72 = tpu.memref_slice %arg5[%arg0, %dma_wait3A_70, %dma_wait3A_71] : memref<2x10240x128xf32, #tpu.memory_space<hbm>> -> memref<1x10240x128xf32, #tpu.memory_space<hbm>>
      %dma_wait3A_73 = tpu.memref_squeeze %dma_wait3A_72 : memref<1x10240x128xf32, #tpu.memory_space<hbm>> -> memref<10240x128xf32, #tpu.memory_space<hbm>>
      %dma_wait3A_74 = arith.constant 0 : i32
      %dma_wait3A_75 = tpu.memref_slice %dma_wait3A_73[%mul3A_8, %dma_wait3A_74] : memref<10240x128xf32, #tpu.memory_space<hbm>> -> memref<640x128xf32, #tpu.memory_space<hbm>>
      %dma_wait3A_76 = arith.constant 0 : i32
      %dma_wait3A_77 = tpu.memref_slice %arg6[%mul3A_8, %dma_wait3A_76] : memref<10240x128xf32, #tpu.memory_space<vmem_shared>> -> memref<640x128xf32, #tpu.memory_space<vmem_shared>>
      tpu.wait_dma2 semaphore(%run_scoped3A : memref<!tpu.dma_semaphore, #tpu.memory_space<semaphore_mem>>) src(%dma_wait3A_77 : memref<640x128xf32, #tpu.memory_space<vmem_shared>>) dst(%dma_wait3A_75 : memref<640x128xf32, #tpu.memory_space<hbm>>)
      tpu.yield
    }) : () -> ()
    return
  }
}

module attributes {stable_mosaic.version = 14 : i64} {
  func.func @_tc1a_body(%arg0: i32, %arg1: memref<2000x128xf32, #tpu.memory_space<vmem>>, %arg2: memref<128x128xf32, #tpu.memory_space<vmem>>, %arg3: memref<1x128xf32, #tpu.memory_space<vmem>>, %arg4: memref<2000x128xf32, #tpu.memory_space<vmem>>) attributes {dimension_semantics = [#tpu.dimension_semantics<arbitrary>], iteration_bounds = array<i64: 5>, scalar_prefetch = 0 : i64, scratch_operands = 0 : i64, tpu.core_type = #tpu.core_type<tc>, window_params = [{transform_indices = @transform_0, window_bounds = array<i64: 2000, 128>}, {pipeline_mode = #tpu.pipeline_mode<synchronous>, transform_indices = @transform_1, window_bounds = array<i64: 128, 128>}, {pipeline_mode = #tpu.pipeline_mode<synchronous>, transform_indices = @transform_2, window_bounds = array<i64: 1, 128>}, {transform_indices = @transform_3, window_bounds = array<i64: 2000, 128>}]} {
    %get3A = arith.constant 0 : index
    %get3A_0 = arith.constant 0 : index
    %get3A_1 = vector.load %arg1[%get3A, %get3A_0] : memref<2000x128xf32, #tpu.memory_space<vmem>>, vector<2000x128xf32>
    %get3A_2 = arith.constant 0 : index
    %get3A_3 = arith.constant 0 : index
    %get3A_4 = vector.load %arg2[%get3A_2, %get3A_3] : memref<128x128xf32, #tpu.memory_space<vmem>>, vector<128x128xf32>
    %dot_general3A = arith.constant dense<0.000000e+00> : vector<2000x128xf32>
    %dot_general3A_5 = tpu.matmul %get3A_1, %get3A_4, %dot_general3A {dimension_numbers = #tpu.dot_dimension_numbers<[1], [1], [0], [0], [0, 0, 1, 0], [], []>, transpose_lhs_hint = false} : vector<2000x128xf32>, vector<128x128xf32>, vector<2000x128xf32> -> vector<2000x128xf32>
    %get3A_6 = arith.constant 0 : index
    %get3A_7 = arith.constant 0 : index
    %get3A_8 = vector.load %arg3[%get3A_6, %get3A_7] : memref<1x128xf32, #tpu.memory_space<vmem>>, vector<1x128xf32>
    %add3A = vector.broadcast %get3A_8 : vector<1x128xf32> to vector<2000x128xf32>
    %add3A_9 = arith.addf %dot_general3A_5, %add3A : vector<2000x128xf32>
    %max3A = arith.constant 0.000000e+00 : f32
    %max3A_10 = vector.broadcast %max3A : f32 to vector<2000x128xf32>
    %max3A_11 = arith.maximumf %add3A_9, %max3A_10 : vector<2000x128xf32>
    %swap3A = arith.constant 0 : index
    %swap3A_12 = arith.constant 0 : index
    %swap3A_13 = vector.load %arg4[%swap3A, %swap3A_12] : memref<2000x128xf32, #tpu.memory_space<vmem>>, vector<2000x128xf32>
    tpu.vector_store %arg4[%swap3A, %swap3A_12], %max3A_11 {strides = array<i32>} : memref<2000x128xf32, #tpu.memory_space<vmem>>, vector<2000x128xf32>,
    return
  }
  func.func @transform_0(%arg0: i32) -> (i32, i32) {
    %c0_i32 = arith.constant 0 : i32
    %c0_i32_0 = arith.constant 0 : i32
    return %arg0, %c0_i32 : i32, i32
  }
  func.func @transform_1(%arg0: i32) -> (i32, i32) {
    %c0_i32 = arith.constant 0 : i32
    %c0_i32_0 = arith.constant 0 : i32
    %c0_i32_1 = arith.constant 0 : i32
    return %c0_i32, %c0_i32_0 : i32, i32
  }
  func.func @transform_2(%arg0: i32) -> (i32, i32) {
    %c0_i32 = arith.constant 0 : i32
    %c0_i32_0 = arith.constant 0 : i32
    %c0_i32_1 = arith.constant 0 : i32
    return %c0_i32, %c0_i32_0 : i32, i32
  }
  func.func @transform_3(%arg0: i32) -> (i32, i32) {
    %c0_i32 = arith.constant 0 : i32
    %c0_i32_0 = arith.constant 0 : i32
    return %arg0, %c0_i32 : i32, i32
  }
}

module attributes {stable_mosaic.version = 14 : i64} {
  func.func @_tc1b_body(%arg0: i32, %arg1: memref<2x2000x8xf32, #tpu.memory_space<vmem>>, %arg2: memref<2000x128xf32, #tpu.memory_space<vmem>>, %arg3: memref<2000x128xf32, #tpu.memory_space<vmem>>, %arg4: memref<2000x1xf32, #tpu.memory_space<vmem>>, %arg5: memref<2000x1xf32, #tpu.memory_space<vmem>>) attributes {dimension_semantics = [#tpu.dimension_semantics<arbitrary>], iteration_bounds = array<i64: 5>, scalar_prefetch = 0 : i64, scratch_operands = 0 : i64, tpu.core_type = #tpu.core_type<tc>, window_params = [{transform_indices = @transform_0, window_bounds = array<i64: 2, 2000, 8>}, {transform_indices = @transform_1, window_bounds = array<i64: 2000, 128>}, {transform_indices = @transform_2, window_bounds = array<i64: 2000, 128>}, {transform_indices = @transform_3, window_bounds = array<i64: 2000, 1>}, {transform_indices = @transform_4, window_bounds = array<i64: 2000, 1>}]} {
    %get3A = arith.constant 0 : index
    %get3A_0 = arith.constant 0 : index
    %get3A_1 = arith.constant 0 : index
    %get3A_2 = vector.load %arg1[%get3A, %get3A_0, %get3A_1] : memref<2x2000x8xf32, #tpu.memory_space<vmem>>, vector<1x2000x1xf32>
    %get3A_3 = vector.shape_cast %get3A_2 : vector<1x2000x1xf32> to vector<2000x1xf32>
    %get3A_4 = arith.constant 1 : index
    %get3A_5 = arith.constant 0 : index
    %get3A_6 = arith.constant 0 : index
    %get3A_7 = vector.load %arg1[%get3A_4, %get3A_5, %get3A_6] : memref<2x2000x8xf32, #tpu.memory_space<vmem>>, vector<1x2000x1xf32>
    %get3A_8 = vector.shape_cast %get3A_7 : vector<1x2000x1xf32> to vector<2000x1xf32>
    %add3A = arith.addf %get3A_3, %get3A_8 : vector<2000x1xf32>
    %max3A = arith.constant 1.000000e+00 : f32
    %max3A_9 = vector.broadcast %max3A : f32 to vector<2000x1xf32>
    %max3A_10 = arith.maximumf %add3A, %max3A_9 : vector<2000x1xf32>
    %rsqrt3A = math.rsqrt %max3A_10 : vector<2000x1xf32>
    %get3A_11 = arith.constant 0 : index
    %get3A_12 = arith.constant 0 : index
    %get3A_13 = vector.load %arg2[%get3A_11, %get3A_12] : memref<2000x128xf32, #tpu.memory_space<vmem>>, vector<2000x128xf32>
    %mul3A = vector.broadcast %rsqrt3A : vector<2000x1xf32> to vector<2000x128xf32>
    %mul3A_14 = arith.mulf %get3A_13, %mul3A : vector<2000x128xf32>
    %swap3A = arith.constant 0 : index
    %swap3A_15 = arith.constant 0 : index
    %swap3A_16 = vector.load %arg3[%swap3A, %swap3A_15] : memref<2000x128xf32, #tpu.memory_space<vmem>>, vector<2000x128xf32>
    tpu.vector_store %arg3[%swap3A, %swap3A_15], %mul3A_14 {strides = array<i32>} : memref<2000x128xf32, #tpu.memory_space<vmem>>, vector<2000x128xf32>,
    %swap3A_17 = arith.constant 0 : index
    %swap3A_18 = arith.constant 0 : index
    %swap3A_19 = vector.load %arg4[%swap3A_17, %swap3A_18] : memref<2000x1xf32, #tpu.memory_space<vmem>>, vector<2000x1xf32>
    tpu.vector_store %arg4[%swap3A_17, %swap3A_18], %rsqrt3A {strides = array<i32>} : memref<2000x1xf32, #tpu.memory_space<vmem>>, vector<2000x1xf32>,
    %sqrt3A = math.sqrt %max3A_10 : vector<2000x1xf32>
    %swap3A_20 = arith.constant 0 : index
    %swap3A_21 = arith.constant 0 : index
    %swap3A_22 = vector.load %arg5[%swap3A_20, %swap3A_21] : memref<2000x1xf32, #tpu.memory_space<vmem>>, vector<2000x1xf32>
    tpu.vector_store %arg5[%swap3A_20, %swap3A_21], %sqrt3A {strides = array<i32>} : memref<2000x1xf32, #tpu.memory_space<vmem>>, vector<2000x1xf32>,
    return
  }
  func.func @transform_0(%arg0: i32) -> (i32, i32, i32) {
    %c0_i32 = arith.constant 0 : i32
    %c0_i32_0 = arith.constant 0 : i32
    %c0_i32_1 = arith.constant 0 : i32
    return %c0_i32, %arg0, %c0_i32_0 : i32, i32, i32
  }
  func.func @transform_1(%arg0: i32) -> (i32, i32) {
    %c0_i32 = arith.constant 0 : i32
    %c0_i32_0 = arith.constant 0 : i32
    return %arg0, %c0_i32 : i32, i32
  }
  func.func @transform_2(%arg0: i32) -> (i32, i32) {
    %c0_i32 = arith.constant 0 : i32
    %c0_i32_0 = arith.constant 0 : i32
    return %arg0, %c0_i32 : i32, i32
  }
  func.func @transform_3(%arg0: i32) -> (i32, i32) {
    %c0_i32 = arith.constant 0 : i32
    %c0_i32_0 = arith.constant 0 : i32
    return %arg0, %c0_i32 : i32, i32
  }
  func.func @transform_4(%arg0: i32) -> (i32, i32) {
    %c0_i32 = arith.constant 0 : i32
    %c0_i32_0 = arith.constant 0 : i32
    return %arg0, %c0_i32 : i32, i32
  }
}

module attributes {stable_mosaic.version = 14 : i64} {
  func.func @_tc2_body(%arg0: i32, %arg1: memref<2000x128xf32, #tpu.memory_space<vmem>>, %arg2: memref<2x2000x128xf32, #tpu.memory_space<vmem>>, %arg3: memref<2000x1xf32, #tpu.memory_space<vmem>>, %arg4: memref<2000x1xf32, #tpu.memory_space<vmem>>, %arg5: memref<128x128xf32, #tpu.memory_space<vmem>>, %arg6: memref<128x128xf32, #tpu.memory_space<vmem>>, %arg7: memref<1x128xf32, #tpu.memory_space<vmem>>, %arg8: memref<2x128xf32, #tpu.memory_space<vmem>>, %arg9: memref<1x2xf32, #tpu.memory_space<vmem>>, %arg10: memref<2000x2xf32, #tpu.memory_space<vmem>>) attributes {dimension_semantics = [#tpu.dimension_semantics<arbitrary>], iteration_bounds = array<i64: 5>, scalar_prefetch = 0 : i64, scratch_operands = 0 : i64, tpu.core_type = #tpu.core_type<tc>, window_params = [{transform_indices = @transform_0, window_bounds = array<i64: 2000, 128>}, {transform_indices = @transform_1, window_bounds = array<i64: 2, 2000, 128>}, {transform_indices = @transform_2, window_bounds = array<i64: 2000, 1>}, {transform_indices = @transform_3, window_bounds = array<i64: 2000, 1>}, {pipeline_mode = #tpu.pipeline_mode<synchronous>, transform_indices = @transform_4, window_bounds = array<i64: 128, 128>}, {pipeline_mode = #tpu.pipeline_mode<synchronous>, transform_indices = @transform_5, window_bounds = array<i64: 128, 128>}, {pipeline_mode = #tpu.pipeline_mode<synchronous>, transform_indices = @transform_6, window_bounds = array<i64: 1, 128>}, {pipeline_mode = #tpu.pipeline_mode<synchronous>, transform_indices = @transform_7, window_bounds = array<i64: 2, 128>}, {pipeline_mode = #tpu.pipeline_mode<synchronous>, transform_indices = @transform_8, window_bounds = array<i64: 1, 2>}, {transform_indices = @transform_9, window_bounds = array<i64: 2000, 2>}]} {
    %get3A = arith.constant 0 : index
    %get3A_0 = arith.constant 0 : index
    %get3A_1 = arith.constant 0 : index
    %get3A_2 = vector.load %arg2[%get3A, %get3A_0, %get3A_1] : memref<2x2000x128xf32, #tpu.memory_space<vmem>>, vector<1x2000x128xf32>
    %get3A_3 = vector.shape_cast %get3A_2 : vector<1x2000x128xf32> to vector<2000x128xf32>
    %get3A_4 = arith.constant 1 : index
    %get3A_5 = arith.constant 0 : index
    %get3A_6 = arith.constant 0 : index
    %get3A_7 = vector.load %arg2[%get3A_4, %get3A_5, %get3A_6] : memref<2x2000x128xf32, #tpu.memory_space<vmem>>, vector<1x2000x128xf32>
    %get3A_8 = vector.shape_cast %get3A_7 : vector<1x2000x128xf32> to vector<2000x128xf32>
    %add3A = arith.addf %get3A_3, %get3A_8 : vector<2000x128xf32>
    %get3A_9 = arith.constant 0 : index
    %get3A_10 = arith.constant 0 : index
    %get3A_11 = vector.load %arg1[%get3A_9, %get3A_10] : memref<2000x128xf32, #tpu.memory_space<vmem>>, vector<2000x128xf32>
    %get3A_12 = arith.constant 0 : index
    %get3A_13 = arith.constant 0 : index
    %get3A_14 = vector.load %arg5[%get3A_12, %get3A_13] : memref<128x128xf32, #tpu.memory_space<vmem>>, vector<128x128xf32>
    %dot_general3A = arith.constant dense<0.000000e+00> : vector<2000x128xf32>
    %dot_general3A_15 = tpu.matmul %get3A_11, %get3A_14, %dot_general3A {dimension_numbers = #tpu.dot_dimension_numbers<[1], [1], [0], [0], [0, 0, 1, 0], [], []>, transpose_lhs_hint = false} : vector<2000x128xf32>, vector<128x128xf32>, vector<2000x128xf32> -> vector<2000x128xf32>
    %get3A_16 = arith.constant 0 : index
    %get3A_17 = arith.constant 0 : index
    %get3A_18 = vector.load %arg6[%get3A_16, %get3A_17] : memref<128x128xf32, #tpu.memory_space<vmem>>, vector<128x128xf32>
    %dot_general3A_19 = arith.constant dense<0.000000e+00> : vector<2000x128xf32>
    %dot_general3A_20 = tpu.matmul %add3A, %get3A_18, %dot_general3A_19 {dimension_numbers = #tpu.dot_dimension_numbers<[1], [1], [0], [0], [0, 0, 1, 0], [], []>, transpose_lhs_hint = false} : vector<2000x128xf32>, vector<128x128xf32>, vector<2000x128xf32> -> vector<2000x128xf32>
    %get3A_21 = arith.constant 0 : index
    %get3A_22 = arith.constant 0 : index
    %get3A_23 = vector.load %arg4[%get3A_21, %get3A_22] : memref<2000x1xf32, #tpu.memory_space<vmem>>, vector<2000x1xf32>
    %mul3A = vector.broadcast %get3A_23 : vector<2000x1xf32> to vector<2000x128xf32>
    %mul3A_24 = arith.mulf %dot_general3A_15, %mul3A : vector<2000x128xf32>
    %get3A_25 = arith.constant 0 : index
    %get3A_26 = arith.constant 0 : index
    %get3A_27 = vector.load %arg3[%get3A_25, %get3A_26] : memref<2000x1xf32, #tpu.memory_space<vmem>>, vector<2000x1xf32>
    %mul3A_28 = vector.broadcast %get3A_27 : vector<2000x1xf32> to vector<2000x128xf32>
    %mul3A_29 = arith.mulf %dot_general3A_20, %mul3A_28 : vector<2000x128xf32>
    %sub3A = arith.subf %mul3A_24, %mul3A_29 : vector<2000x128xf32>
    %get3A_30 = arith.constant 0 : index
    %get3A_31 = arith.constant 0 : index
    %get3A_32 = vector.load %arg7[%get3A_30, %get3A_31] : memref<1x128xf32, #tpu.memory_space<vmem>>, vector<1x128xf32>
    %add3A_33 = vector.broadcast %get3A_32 : vector<1x128xf32> to vector<2000x128xf32>
    %add3A_34 = arith.addf %sub3A, %add3A_33 : vector<2000x128xf32>
    %max3A = arith.constant 0.000000e+00 : f32
    %max3A_35 = vector.broadcast %max3A : f32 to vector<2000x128xf32>
    %max3A_36 = arith.maximumf %add3A_34, %max3A_35 : vector<2000x128xf32>
    %get3A_37 = arith.constant 0 : index
    %get3A_38 = arith.constant 0 : index
    %get3A_39 = vector.load %arg8[%get3A_37, %get3A_38] : memref<2x128xf32, #tpu.memory_space<vmem>>, vector<2x128xf32>
    %dot_general3A_40 = arith.constant dense<0.000000e+00> : vector<2000x2xf32>
    %dot_general3A_41 = tpu.matmul %max3A_36, %get3A_39, %dot_general3A_40 {dimension_numbers = #tpu.dot_dimension_numbers<[1], [1], [0], [0], [0, 0, 1, 0], [], []>, transpose_lhs_hint = false} : vector<2000x128xf32>, vector<2x128xf32>, vector<2000x2xf32> -> vector<2000x2xf32>
    %get3A_42 = arith.constant 0 : index
    %get3A_43 = arith.constant 0 : index
    %get3A_44 = vector.load %arg9[%get3A_42, %get3A_43] : memref<1x2xf32, #tpu.memory_space<vmem>>, vector<1x2xf32>
    %add3A_45 = vector.broadcast %get3A_44 : vector<1x2xf32> to vector<2000x2xf32>
    %add3A_46 = arith.addf %dot_general3A_41, %add3A_45 : vector<2000x2xf32>
    %swap3A = arith.constant 0 : index
    %swap3A_47 = arith.constant 0 : index
    %swap3A_48 = vector.load %arg10[%swap3A, %swap3A_47] : memref<2000x2xf32, #tpu.memory_space<vmem>>, vector<2000x2xf32>
    tpu.vector_store %arg10[%swap3A, %swap3A_47], %add3A_46 {strides = array<i32>} : memref<2000x2xf32, #tpu.memory_space<vmem>>, vector<2000x2xf32>,
    return
  }
  func.func @transform_0(%arg0: i32) -> (i32, i32) {
    %c0_i32 = arith.constant 0 : i32
    %c0_i32_0 = arith.constant 0 : i32
    return %arg0, %c0_i32 : i32, i32
  }
  func.func @transform_1(%arg0: i32) -> (i32, i32, i32) {
    %c0_i32 = arith.constant 0 : i32
    %c0_i32_0 = arith.constant 0 : i32
    %c0_i32_1 = arith.constant 0 : i32
    return %c0_i32, %arg0, %c0_i32_0 : i32, i32, i32
  }
  func.func @transform_2(%arg0: i32) -> (i32, i32) {
    %c0_i32 = arith.constant 0 : i32
    %c0_i32_0 = arith.constant 0 : i32
    return %arg0, %c0_i32 : i32, i32
  }
  func.func @transform_3(%arg0: i32) -> (i32, i32) {
    %c0_i32 = arith.constant 0 : i32
    %c0_i32_0 = arith.constant 0 : i32
    return %arg0, %c0_i32 : i32, i32
  }
  func.func @transform_4(%arg0: i32) -> (i32, i32) {
    %c0_i32 = arith.constant 0 : i32
    %c0_i32_0 = arith.constant 0 : i32
    %c0_i32_1 = arith.constant 0 : i32
    return %c0_i32, %c0_i32_0 : i32, i32
  }
  func.func @transform_5(%arg0: i32) -> (i32, i32) {
    %c0_i32 = arith.constant 0 : i32
    %c0_i32_0 = arith.constant 0 : i32
    %c0_i32_1 = arith.constant 0 : i32
    return %c0_i32, %c0_i32_0 : i32, i32
  }
  func.func @transform_6(%arg0: i32) -> (i32, i32) {
    %c0_i32 = arith.constant 0 : i32
    %c0_i32_0 = arith.constant 0 : i32
    %c0_i32_1 = arith.constant 0 : i32
    return %c0_i32, %c0_i32_0 : i32, i32
  }
  func.func @transform_7(%arg0: i32) -> (i32, i32) {
    %c0_i32 = arith.constant 0 : i32
    %c0_i32_0 = arith.constant 0 : i32
    %c0_i32_1 = arith.constant 0 : i32
    return %c0_i32, %c0_i32_0 : i32, i32
  }
  func.func @transform_8(%arg0: i32) -> (i32, i32) {
    %c0_i32 = arith.constant 0 : i32
    %c0_i32_0 = arith.constant 0 : i32
    %c0_i32_1 = arith.constant 0 : i32
    return %c0_i32, %c0_i32_0 : i32, i32
  }
  func.func @transform_9(%arg0: i32) -> (i32, i32) {
    %c0_i32 = arith.constant 0 : i32
    %c0_i32_0 = arith.constant 0 : i32
    return %arg0, %c0_i32 : i32, i32
  }
}

</mosaic_0001>

<sc_bundles>
// kernel: kernel.10.cloned.1.call-start
scs
__scs_entry_jumppad:
0x0: {  	(pc) =	sbr.rel $0x88, $3  }
0x1: {  	(tag) =	ssettag $0x0;
	lr =	simm.s32 $0x1  }
0x2: {  	[smem:$0x3F99] =	sst lr;
	_ =	strace $0xD0000000  }
0x3: {  	_ = 	snop  }
0x4: {  	_ = 	snop  }
0x5: {  	_ = 	snop  }
0x6: {  	_ = 	snop  }
0x7: {  	_ = 	snop  }
__scs_overlays_trampoline_lowered:
0x8: {  	[smem:$0x3FA8] =	sst s0  }
0x9: {  	[smem:$0x3FA9] =	sst s1  }
0xa: {  	[smem:$0x3FAA] =	sst s2  }
0xb: {  	[smem:$0x3FAB] =	sst s3  }
0xc: {  	[smem:$0x3FAC] =	sst s4  }
0xd: {  	[smem:$0x3FAD] =	sst s5  }
0xe: {  	[smem:$0x3FAE] =	sst s6  }
0xf: {  	[smem:$0x3FAF] =	sst s7  }
0x10: {  	[smem:$0x3FB0] =	sst s8  }
0x11: {  	[smem:$0x3FB1] =	sst s9;
	s0 =	simm.s32 @!p0 $0x0  }
0x12: {  	s1 =	sld [smem:$0x3F97];
	s0 =	simm.s32 @p0 $0x1  }
0x13: {  	[smem:$0x3FB2] =	sst s0;
	s0 =	simm.s32 @!p1 $0x0  }
0x14: {  	s2 =	sld [smem:$0x3F96];
	s0 =	simm.s32 @p1 $0x1  }
0x15: {  	[smem:$0x3FB3] =	sst s0;
	s0 =	simm.s32 @!p2 $0x0  }
0x16: {  	s3 =	sld [smem:$0x3FDB];
	s0 =	simm.s32 @p2 $0x1  }
0x17: {  	s4 =	simm.s32 $0x1BF5;
	[smem:$0x3FB5] =	sst s0  }
0x18: {  	s0 =	sld [smem:$0x3F98];
	_ =	swait.ge [sflag:s4], $0x0  }
0x19: {  	s7 =	sld [smem:$0x3F99]  }
0x1a: {  	s8 =	sadd.s32 $0xFFFFE003, lr  }
0x1b: {  	s9 =	sadd.s32 $0xFFFFFEF7, lr;
	s5 =	simm.s32 $0xFFFFFFFF;
	p2 =	slt.u32 s8, $0xFFFFF086  }
0x1c: {  	p1 =	slt.u32 s9, $0xF7A;
	s5 =	simm.s32 @!p2 $0x0  }
0x1d: {  	s5 =	simm.s32 @p1 $0x1;
	p0 =	seq.s32 s7, s2  }
0x1e: {  	s7 =	smul.u32 @!p0 $0xF7A, s2;
	p2 =	seq.s32 @!p0 s5, $0x0  }
0x1f: {  	s9 =	smul.u32 $0xF7A, s1;
	s8 =	simm.s32 @!p0 $0x1BF5;
	p2 =	por !p2, p0  }
0x20: {  	[sflag:s8] =	ssyncset.s32 @!p0 $0xFFFFF086;
	s6 =	sadd.s32 @!p0 s3, s7;
	s7 =	simm.s32 @!p0 $0x108  }
0x21: {  	s3 =	sadd.s32 s3, s9;
	s6 =	sadd.s32 @!p0 $0x88, s6;
	s7 =	simm.s32 @p2 $0x1082  }
0x22: {  	[simem:s7], [sflag:s8] =	dma.local @!p0 [hbm:s6], $0xF7A  }
0x23: {  	s9 =	sor.u32 $0xD0000000, s2;
	s6 =	simm.s32 $0x108;
	_ =	swait.ge @!p0 [sflag:s8], $0x0  }
0x24: {  	s3 =	sadd.s32 $0x88, s3;
	s6 =	simm.s32 @!p1 $0x1082;
	[sflag:s4] =	ssyncset.s32 $0xFFFFF086  }
0x25: {  	[simem:s6], [sflag:s4] =	dma.local [hbm:s3], $0xF7A  }
0x26: {  	[smem:$0x3F99] =	sst s1;
	(tag) =	ssettag s2;
	_ =	strace s9  }
0x27: {  	s1 =	sld [smem:$0x3FA9]  }
0x28: {  	s2 =	sld [smem:$0x3FAA]  }
0x29: {  	s4 =	sld [smem:$0x3FAC]  }
0x2a: {  	p0 =	seq.s32 s5, $0x0;
	s5 =	sld [smem:$0x3FAD]  }
0x2b: {  	s6 =	sld [smem:$0x3FAE]  }
0x2c: {  	s7 =	sld [smem:$0x3FAF]  }
0x2d: {  	s3 =	simm.s32 $0x108;
	s8 =	sld [smem:$0x3FB0]  }
0x2e: {  	s3 =	simm.s32 @!p0 $0x1082;
	s9 =	sld [smem:$0x3FB1]  }
0x2f: {  	lr =	sadd.s32 s0, s3;
	s0 =	sld [smem:$0x3FA8]  }
0x30: {  	s3 =	sld [smem:$0x3FAB]  }
0x31: {  	[smem:$0x3FB4] =	sst s10  }
0x32: {  	s10 =	sld [smem:$0x3FB2];
	_ =	sdelay $0x3  }
0x33: {  	p0 =	seq.s32 s10, $0x1;
	s10 =	sld [smem:$0x3FB4];
	_ =	sdelay $0x3  }
0x34: {  	[smem:$0x3FB4] =	sst s10  }
0x35: {  	s10 =	sld [smem:$0x3FB3];
	_ =	sdelay $0x3  }
0x36: {  	p1 =	seq.s32 s10, $0x1;
	s10 =	sld [smem:$0x3FB4];
	_ =	sdelay $0x3  }
0x37: {  	[smem:$0x3FB4] =	sst s10  }
0x38: {  	s10 =	sld [smem:$0x3FB5]  }
0x39: {  	_ = 	snop;
	(pc) =	sbr.ind lr, $3  }
0x3a: {  	_ = 	snop  }
0x3b: {  	_ = 	snop  }
0x3c: {  	p2 =	seq.s32 s10, $0x1;
	s10 =	sld [smem:$0x3FB4]  }
0x3d: {  	_ =	shalt  }
0x3e: {  	_ =	shalt  }
0x3f: {  	_ =	shalt  }
0x40: {  	_ =	shalt  }
0x41: {  	_ =	shalt  }
0x42: {  	_ =	shalt  }
0x43: {  	_ =	shalt  }
0x44: {  	_ =	shalt  }
0x45: {  	_ =	shalt  }
0x46: {  	_ =	shalt  }
0x47: {  	_ =	shalt  }
0x48: {  	_ =	shalt  }
0x49: {  	_ =	shalt  }
0x4a: {  	_ =	shalt  }
0x4b: {  	_ =	shalt  }
0x4c: {  	_ =	shalt  }
0x4d: {  	_ =	shalt  }
0x4e: {  	_ =	shalt  }
0x4f: {  	_ =	shalt  }
0x50: {  	_ =	shalt  }
0x51: {  	_ =	shalt  }
0x52: {  	_ =	shalt  }
0x53: {  	_ =	shalt  }
0x54: {  	_ =	shalt  }
0x55: {  	_ =	shalt  }
0x56: {  	_ =	shalt  }
0x57: {  	_ =	shalt  }
0x58: {  	_ =	shalt  }
0x59: {  	_ =	shalt  }
0x5a: {  	_ =	shalt  }
0x5b: {  	_ =	shalt  }
0x5c: {  	_ =	shalt  }
0x5d: {  	_ =	shalt  }
0x5e: {  	_ =	shalt  }
0x5f: {  	_ =	shalt  }
0x60: {  	_ =	shalt  }
0x61: {  	_ =	shalt  }
0x62: {  	_ =	shalt  }
0x63: {  	_ =	shalt  }
0x64: {  	_ =	shalt  }
0x65: {  	_ =	shalt  }
0x66: {  	_ =	shalt  }
0x67: {  	_ =	shalt  }
0x68: {  	_ =	shalt  }
0x69: {  	_ =	shalt  }
0x6a: {  	_ =	shalt  }
0x6b: {  	_ =	shalt  }
0x6c: {  	_ =	shalt  }
0x6d: {  	_ =	shalt  }
0x6e: {  	_ =	shalt  }
0x6f: {  	_ =	shalt  }
0x70: {  	_ =	shalt  }
0x71: {  	_ =	shalt  }
0x72: {  	_ =	shalt  }
0x73: {  	_ =	shalt  }
0x74: {  	_ =	shalt  }
0x75: {  	_ =	shalt  }
0x76: {  	_ =	shalt  }
0x77: {  	_ =	shalt  }
0x78: {  	_ =	shalt  }
0x79: {  	_ =	shalt  }
0x7a: {  	_ =	shalt  }
0x7b: {  	_ =	shalt  }
0x7c: {  	_ =	shalt  }
0x7d: {  	_ =	shalt  }
0x7e: {  	_ =	shalt  }
0x7f: {  	_ =	shalt  }
0x80: {  	_ =	shalt  }
0x81: {  	_ =	shalt  }
0x82: {  	_ =	shalt  }
0x83: {  	_ =	shalt  }
0x84: {  	_ =	shalt  }
0x85: {  	_ =	shalt  }
0x86: {  	_ =	shalt  }
0x87: {  	_ =	shalt  }
.Lfunc_end0:
.L_simem_size_0:
called_computation.1_lowered:
.L_overlay_start_0:
0x88: {  	s2 =	sld [smem:$0x3FD9]  }
0x89: {  	s3 =	sld [smem:$0x3FFE];
	_ =	sdelay $0x1  }
0x8a: {  	s1 =	srdreg.scid  }
0x8b: {  	s0 =	sand.u32 $0x1, s1  }
0x8c: {  	s16 =	sshll.u32 s0, $0xA;
	s2 =	sadd.s32 s3, s2  }
0x8d: {  	s2 =	sadd.s32 s2, s16  }
0x8e: {  	[smem:$0x3FC0] =	sst s2  }
0x8f: {  	_ = 	snop  }
0x90: {  	(tm) =	ssettm $0x1  }
0x91: {  	s17 =	sld [smem:$0x3FFB];
	_ =	sdelay $0x3  }
0x92: {  	_ =	strace s17  }
0x93: {  	s2 =	sld [smem:$0x3FFC];
	_ =	sdelay $0x3  }
0x94: {  	_ =	strace s2  }
0x95: {  	s2 =	sld [smem:$0x3FFD];
	_ =	sdelay $0x3  }
0x96: {  	_ =	strace s2  }
0x97: {  	_ =	strace $0x8FFFFFFF  }
0x98: {  	s18 =	sld [smem:$0x3FDB];
	_ =	sdelay $0x1  }
0x99: {  	s19 =	simm.s32 $_scs_section_size  }
0x9a: {  	s4 =	simm.s32 $_size__tile_overlayer_lowered;
	s5 =	simm.s32 $_tile_overlayer_lowered  }
0x9b: {  	s22 =	simm.s32 $0x1BFF;
	s21 =	sshll.u32 s5, $0x1;
	s2 =	sadd.s32 s19, s18  }
0x9c: {  	s6 =	simm.s32 $0x0;
	s20 =	sshll.u32 s4, $0x1;
	s4 =	sadd.s32 s21, s2  }
0x9d: {  	[timem:s6], [sflag:s22] =	dma.local [hbm:s4], s20  }
0x9e: {  	_ =	swait.ge [sflag:s22], s20  }
0x9f: {  	s3 =	ssub.s32 $0x0, s20;
	[sflag:s22] =	ssyncset.done $0x0  }
0xa0: {  	[sflag:s22] =	ssyncadd.s32 s3;
	_ =	sdelay $0x1  }
0xa1: {  	s23 =	simm.s32 $0x1B8B  }
0xa2: {  	_ =	swait.ge [sflag:s23], $0x1  }
0xa3: {  	[sflag:s23] =	ssyncset.done $0x0  }
0xa4: {  	s25 =	simm.s32 $0x1B8E;
	s24 =	sld [smem:$0x3FFE];
	[sflag:s23] =	ssyncadd.s32 $0xFFFFFFFF  }
0xa5: {  	s26 =	simm.s32 $execute0_lowered;
	[smem:$0x3FD2] =	sst s25  }
0xa6: {  	s4 =	sshll.u32 s26, $0x1;
	_ =	strace $0x80000049;
	[dreg:$0x1] =	wrdreg $0xFFFFFFFF  }
0xa7: {  	s28 =	simm.s32 $_size_execute0_lowered;
	s2 =	sadd.s32 s2, s4;
	[dreg:$0x0] =	wrdreg $0x0  }
0xa8: {  	s4 =	sshll.u32 s28, $0x1;
	[dreg:$0x2] =	wrdreg s2  }
0xa9: {  	[dreg:$0x3] =	wrdreg s4  }
0xaa: {  	[dreg:$0x4] =	wrdreg $0xC0  }
0xab: {  	_ =	task [dreg:s6], $0x5FFFF  }
0xac: {  	[dreg:$0x1] =	wrdreg $0xFFFFFFFF  }
0xad: {  	[dreg:$0x0] =	wrdreg $0x60  }
0xae: {  	[dreg:$0x2] =	wrdreg s24  }
0xaf: {  	[dreg:$0x3] =	wrdreg $0x0  }
0xb0: {  	[dreg:$0x4] =	wrdreg $0x9  }
0xb1: {  	_ =	task.clear_ibuf [dreg:s6], $0x5FFFF;
	_ =	strace $0x90000049  }
0xb2: {  	s29 =	simm.s32 $0x9;
	_ =	strace $0x8000004B  }
0xb3: {  	_ =	swait.ge [sflag:s29], $0x1  }
0xb4: {  	[sflag:s29] =	ssyncadd.s32 $0xFFFFFFFF  }
0xb5: {  	_ =	strace $0x9000004B  }
0xb6: {  	_ =	sfence  }
0xb7: {  	s30 =	sld [smem:$0x0];
	_ =	sdelay $0x2  }
0xb8: {  	s31 =	sshll.u32 s1, $0xD;
	s1 =	sshrl.u32 s1, $0x2  }
0xb9: {  	s3 =	sand.u32 $0x4000, s31;
	s1 =	sadd.s32 s1, s30  }
0xba: {  	s0 =	sor.u32 s3, s0;
	s1 =	sshll.u32 s1, $0x11  }
0xbb: {  	s0 =	sor.u32 s1, s0  }
0xbc: {  	s0 =	sadd.s32 $0x8F2B, s0  }
0xbd: {  	[sflag:s0] =	ssyncadd.remote.s32 $0x1  }
0xbe: {  	_ =	sfence.sel $0xFFFF  }
0xbf: {  	[dreg:$0x0] =	wrdreg $0xFFFFFFFF;
	(pc) =	sbr.abs _section_cstart, $3  }
0xc0: {  	[dreg:$0x1] =	wrdreg $0xFFFFFFFF  }
0xc1: {  	_ =	task.clear_ibuf [dreg:s6], $0x2FFFF;
	_ =	strace $0x9FFFFFFF  }
0xc2: {  	(tm) =	ssettm $0x7FFFFFFF  }
0xc3: {  	_ =	shalt  }
tec
execute0_lowered:
.L_overlay_start_1:
0x0: {  	(tag) =	ssettag $0x1  }
0x1: {  	s0 =	srdreg.scid  }
0x2: {  	s1 =	rddreg [dreg:$0x0];
	s11 =	stileid.u32  }
0x3: {  	s2 =	rddreg [dreg:$0x1];
	s28 =	simm.s32 $0x16900;
	s14 =	smul.u32 $0x50000, s11  }
0x4: {  	s29 =	simm.s32 $0x7D;
	s30 =	simm.s32 $0x5;
	s17 =	smul.u32 $0x2800, s11  }
0x5: {  	s31 =	simm.s32 $0x1;
	s0 =	sand.u32 $0x1, s0;
	s20 =	smul.u32 $0x500, s11  }
0x6: {  	s12 =	simm.s32 $0x4;
	s3 =	sshll.u32 s0, $0x4;
	s7 =	smul.u32 $0x28000, s0  }
0x7: {  	s13 =	ssub.s32 $0x2, s0;
	s0 =	smul.u32 $0x5000, s0;
	s4 =	sor.u32 s11, s3  }
0x8: {  	s5 =	sadd.s32 $0x11200, s1;
	s3 =	simm.s32 $0x0;
	s6 =	smul.u32 $0x500, s4  }
0x9: {  	s9 =	sshrl.u32 s13, $0x1;
	s11 =	simm.s32 $0x7;
	[smem:$0x7FF] =	sst s3  }
0xa: {  	s4 =	sadd.s32 $0x25200, s1;
	_ =	strace $0x8000004A;
	s8 =	sadd.s32 s6, s1  }
0xb: {  	s1 =	sadd.s32 s7, s1;
	s10 =	sadd.s32 s5, s6;
	s7 =	ssub.s32 s13, s9  }
0xc: {  	s6 =	sshrl.u32 s14, $0x2;
	s8 =	sadd.s32 $0x1B200, s8;
	[dreg:$0x3] =	wrdreg s10  }
0xd: {  	s9 =	simm.s32 $0x3;
	s15 =	sadd.s32 $0x10, s10;
	[dreg:$0x4] =	wrdreg s8  }
0xe: {  	s13 =	simm.s32 $0x0;
	s16 =	sadd.s32 $0x20, s10;
	[dreg:$0x5] =	wrdreg s15  }
0xf: {  	s10 =	sadd.s32 s6, s2;
	s18 =	smax.u32 s7, $0x1;
	[dreg:$0x6] =	wrdreg s16  }
0x10: {  	s1 =	sadd.s32 $0x4C400, s1;
	[dreg:$0x7] =	wrdreg s18;
	s19 =	sadd.s32 $0x2800, s10  }
0x11: {  	s7 =	simm.s32 $0x16980;
	s21 =	sadd.s32 $0x5000, s10;
	[dreg:$0x8] =	wrdreg s19  }
0x12: {  	s6 =	simm.s32 $0x8;
	s22 =	sadd.s32 $0x7800, s10;
	[dreg:$0x9] =	wrdreg s21  }
0x13: {  	s23 =	sadd.s32 $0xA000, s10;
	s24 =	sadd.s32 $0xC800, s10;
	[dreg:$0xa] =	wrdreg s22  }
0x14: {  	s25 =	sadd.s32 $0xF000, s10;
	s18 =	sadd.s32 s20, s0;
	[dreg:$0xb] =	wrdreg s23  }
.Ltmp0:
0x15: {  	s26 =	sadd.s32 $0x11800, s10;
	[dreg:$0xc] =	wrdreg s24;
	(pc) =	sbr.rel .LBB2_1-.Ltmp0, $4  }
0x16: {  	s0 =	simm.s32 $0x1AA00;
	s8 =	simm.s32 $0x2;
	[dreg:$0xd] =	wrdreg s25  }
0x17: {  	[dreg:$0xe] =	wrdreg s26;
	s20 =	sadd.s32 s5, s18;
	s21 =	simm.s32 $0x16A00  }
0x18: {  	s22 =	simm.s32 $0x9;
	s23 =	simm.s32 $0x14000;
	s24 =	sadd.s32 s17, s1  }
0x19: {  	v0 =	vimm.f32 $0.0e+00;
	s25 =	simm.s32 $0x16800;
	s26 =	simm.s32 $0x16880;
	s1 =	simm.s32 $0x6  }
.LBB2_6:
0x1a: {  	_ =	swait.ge [sflag:s8], $0x3E80  }
0x1b: {  	[sflag:s8] =	ssyncset.done $0x0  }
0x1c: {  	[sflag:s8] =	ssyncadd.s32 $0xFFFFC180  }
0x1d: {  	[spmem:s2] =	stream.indirect.scatter.add.f32 [tilespmem:s0], [sflag:$0x4], $0x80, s7, s29, $0xb8;
	[tilespmem:$0x1EA00] =	vst v63  }
0x1e: {  	_ =	swait.ge [sflag:s9], $0x3E80  }
0x1f: {  	[sflag:s9] =	ssyncset.done $0x0  }
0x20: {  	[sflag:s9] =	ssyncadd.s32 $0xFFFFC180  }
0x21: {  	_ =	swait.ge [sflag:s12], $0x3E80  }
0x22: {  	s14 =	stileid.u32;
	[sflag:s12] =	ssyncset.done $0x0  }
0x23: {  	s14 =	sshll.u32 s14, $0x6;
	[sflag:s12] =	ssyncadd.s32 $0xFFFFC180  }
0x24: {  	s15 =	sshrl.u32 s10, $0x3;
	s14 =	sor.u32 $0x1C09, s14;
	[bflag:$0x0] =	sbarrier.arrive $0xFFFF  }
0x25: {  	[hbm:s24], [sflag:s14] =	dma.local [spmem:s15], $0x2800  }
0x26: {  	_ =	swait.ge [sflag:s22], $0x2800  }
0x27: {  	s13 =	sadd.s32 $0x1, s13;
	s19 =	rddreg [dreg:$0x7]  }
0x28: {  	p0 =	sne.s32 s13, s19  }
.Ltmp1:
0x29: {  	_ = 	snop;
	(pc) =	sbr.rel @!p0 .LBB2_7-.Ltmp1, $3  }
0x2a: {  	_ =	sdelay $0x1  }
0x2b: {  	[sflag:s22] =	ssyncset.done $0x0  }
0x2c: {  	[sflag:s22] =	ssyncadd.s32 $0xFFFFD800  }
.LBB2_1:
0x2d: {  	s14 =	sand.u32 $0xFE00, s3  }
0x2e: {  	s15 =	sand.u32 $0x70, s3;
	s16 =	sshrl.u32 s14, $0x2  }
0x2f: {  	s14 =	simm.s32 $0x40;
	s16 =	sor.u32 s15, s16;
	s15 =	simm.s32 $0x0  }
.LBB2_2:
0x30: {  	p0 =	sne.s32 s14, $0xF9C0  }
0x31: {  	[tilespmem:s16+$0x16A00] =	vst v0;
	s15 =	sadd.s32 $0x10, s15;
	s16 =	smov.u32 s14;
	s14 =	sadd.s32 $0x40, s14  }
.Ltmp2:
0x32: {  	(pc) =	sbr.rel @p0 .LBB2_2-.Ltmp2, $4  }
0x33: {  	_ = 	snop  }
0x34: {  	s16 =	sand.u32 $0xFE00, s16  }
0x35: {  	s17 =	sand.u32 $0x70, s15;
	s16 =	sshrl.u32 s16, $0x2  }
0x36: {  	s16 =	sor.u32 s17, s16  }
0x37: {  	[tilespmem:s16+$0x16A00] =	vst v0  }
0x38: {  	[spmem:s10] =	stream.linear.scatter [tilespmem:s21], [sflag:$0x9], $0x2800, $0x38;
	[tilespmem:$0x1EA00] =	vst v63  }
0x39: {  	_ =	swait.ge [sflag:s22], $0x2800  }
0x3a: {  	[sflag:s22] =	ssyncset.done $0x0  }
0x3b: {  	s14 =	rddreg [dreg:$0x8];
	[sflag:s22] =	ssyncadd.s32 $0xFFFFD800  }
0x3c: {  	[spmem:s14] =	stream.linear.scatter [tilespmem:s21], [sflag:$0x9], $0x2800, $0x38;
	[tilespmem:$0x1EA00] =	vst v63  }
0x3d: {  	_ =	swait.ge [sflag:s22], $0x2800  }
0x3e: {  	[sflag:s22] =	ssyncset.done $0x0  }
0x3f: {  	s19 =	rddreg [dreg:$0x9];
	[sflag:s22] =	ssyncadd.s32 $0xFFFFD800  }
0x40: {  	[spmem:s19] =	stream.linear.scatter [tilespmem:s21], [sflag:$0x9], $0x2800, $0x38;
	[tilespmem:$0x1EA00] =	vst v63  }
0x41: {  	_ =	swait.ge [sflag:s22], $0x2800  }
0x42: {  	[sflag:s22] =	ssyncset.done $0x0  }
0x43: {  	s15 =	rddreg [dreg:$0xa];
	[sflag:s22] =	ssyncadd.s32 $0xFFFFD800  }
0x44: {  	[spmem:s15] =	stream.linear.scatter [tilespmem:s21], [sflag:$0x9], $0x2800, $0x38;
	[tilespmem:$0x1EA00] =	vst v63  }
0x45: {  	_ =	swait.ge [sflag:s22], $0x2800  }
0x46: {  	[sflag:s22] =	ssyncset.done $0x0  }
0x47: {  	s16 =	rddreg [dreg:$0xb];
	[sflag:s22] =	ssyncadd.s32 $0xFFFFD800  }
0x48: {  	[spmem:s16] =	stream.linear.scatter [tilespmem:s21], [sflag:$0x9], $0x2800, $0x38;
	[tilespmem:$0x1EA00] =	vst v63  }
0x49: {  	_ =	swait.ge [sflag:s22], $0x2800  }
0x4a: {  	[sflag:s22] =	ssyncset.done $0x0  }
0x4b: {  	s17 =	rddreg [dreg:$0xc];
	[sflag:s22] =	ssyncadd.s32 $0xFFFFD800  }
0x4c: {  	[spmem:s17] =	stream.linear.scatter [tilespmem:s21], [sflag:$0x9], $0x2800, $0x38;
	[tilespmem:$0x1EA00] =	vst v63  }
0x4d: {  	_ =	swait.ge [sflag:s22], $0x2800  }
0x4e: {  	[sflag:s22] =	ssyncset.done $0x0  }
0x4f: {  	s19 =	rddreg [dreg:$0xd];
	[sflag:s22] =	ssyncadd.s32 $0xFFFFD800  }
0x50: {  	[spmem:s19] =	stream.linear.scatter [tilespmem:s21], [sflag:$0x9], $0x2800, $0x38;
	[tilespmem:$0x1EA00] =	vst v63  }
0x51: {  	_ =	swait.ge [sflag:s22], $0x2800  }
0x52: {  	[sflag:s22] =	ssyncset.done $0x0  }
0x53: {  	s15 =	rddreg [dreg:$0xe];
	[sflag:s22] =	ssyncadd.s32 $0xFFFFD800  }
0x54: {  	[spmem:s15] =	stream.linear.scatter [tilespmem:s21], [sflag:$0x9], $0x2800, $0x38;
	[tilespmem:$0x1EA00] =	vst v63  }
0x55: {  	_ =	swait.ge [sflag:s22], $0x2800  }
0x56: {  	[sflag:s22] =	ssyncset.done $0x0  }
0x57: {  	[sflag:s22] =	ssyncadd.s32 $0xFFFFD800  }
0x58: {  	[bflag:$0x0] =	sbarrier.arrive $0xFFFF  }
0x59: {  	s14 =	simm.s32 $0x0;
	s15 =	rddreg [dreg:$0x4]  }
0x5a: {  	[tilespmem:s23], [sflag:$0x9] =	stream.linear.gather [hbm4b:s15+s14], $0x2800, $0x38;
	[tilespmem:$0x1EA00] =	vst v63  }
0x5b: {  	_ =	swait.ge [sflag:s22], $0x2800  }
0x5c: {  	[sflag:s22] =	ssyncset.done $0x0  }
0x5d: {  	s16 =	rddreg [dreg:$0x3];
	[sflag:s22] =	ssyncadd.s32 $0xFFFFD800  }
0x5e: {  	[tilespmem:s25], [sflag:$0x5] =	stream.linear.gather [hbm4b:s16+s14], $0x80, $0x38;
	[tilespmem:$0x1EA00] =	vst v63  }
0x5f: {  	s17 =	rddreg [dreg:$0x5]  }
0x60: {  	[tilespmem:s26], [sflag:$0x6] =	stream.linear.gather [hbm4b:s17+s14], $0x80, $0x38;
	[tilespmem:$0x1EA00] =	vst v63  }
0x61: {  	s19 =	rddreg [dreg:$0x6]  }
0x62: {  	[tilespmem:s28], [sflag:$0x7] =	stream.linear.gather [hbm4b:s19+s14], $0x80, $0x38;
	[tilespmem:$0x1EA00] =	vst v63  }
0x63: {  	_ = 	snop  }
0x64: {  	[tilespmem:s21], [sflag:$0x1] =	stream.indirect.gather [hbm4b:s4+s29], $0x80, s23, s29, $0xb8;
	[tilespmem:$0x1EA00] =	vst v63  }
0x65: {  	_ =	swait.ge [sflag:s30], $0x80  }
0x66: {  	[sflag:s30] =	ssyncset.done $0x0  }
0x67: {  	s15 =	simm.s32 $0x14200;
	[sflag:s30] =	ssyncadd.s32 $0xFFFFFF80  }
.LBB2_4:
0x68: {  	_ =	swait.ge [sflag:s31], $0x3E80  }
0x69: {  	p0 =	seq.s32 s14, $0x0;
	[sflag:s31] =	ssyncset.done $0x0  }
0x6a: {  	s16 =	simm.s32 @!p0 $0x4;
	[sflag:s31] =	ssyncadd.s32 $0xFFFFC180  }
0x6b: {  	[spmem:s2] =	stream.indirect.scatter.add.f32 [tilespmem:s21], [sflag:$0x3], $0x80, s25, s29, $0xb8;
	[tilespmem:$0x1EA00] =	vst v63  }
0x6c: {  	_ =	swait.ge @!p0 [sflag:s16], $0x3E80  }
0x6d: {  	[sflag:s16] =	ssyncset.done @!p0 $0x0  }
0x6e: {  	[sflag:s16] =	ssyncadd.s32 @!p0 $0xFFFFC180  }
0x6f: {  	_ =	swait.ge [sflag:s1], $0x80  }
0x70: {  	[sflag:s1] =	ssyncset.done $0x0  }
0x71: {  	s17 =	sadd.s32 $0xFFFFFE80, s15;
	[sflag:s1] =	ssyncadd.s32 $0xFFFFFF80  }
0x72: {  	[tilespmem:s0], [sflag:$0x2] =	stream.indirect.gather [hbm4b:s4+s29], $0x80, s17, s29, $0xb8;
	[tilespmem:$0x1EA00] =	vst v63  }
0x73: {  	s19 =	sadd.s32 s14, s18;
	s17 =	sand.u32 $0x40, s14  }
0x74: {  	s16 =	sand.u32 $0xFFFFF80, s19;
	s17 =	sadd.s32 s17, s5  }
0x75: {  	s16 =	sadd.s32 s16, s17  }
0x76: {  	s16 =	sadd.s32 $0x30, s16  }
0x77: {  	[tilespmem:s7], [sflag:$0x8] =	stream.linear.gather [hbm4b:s16+s3], $0x80, $0x38;
	[tilespmem:$0x1EA00] =	vst v63  }
0x78: {  	_ =	swait.ge [sflag:s8], $0x3E80  }
0x79: {  	[sflag:s8] =	ssyncset.done $0x0  }
0x7a: {  	[sflag:s8] =	ssyncadd.s32 $0xFFFFC180  }
0x7b: {  	[spmem:s2] =	stream.indirect.scatter.add.f32 [tilespmem:s0], [sflag:$0x4], $0x80, s26, s29, $0xb8;
	[tilespmem:$0x1EA00] =	vst v63  }
0x7c: {  	_ =	swait.ge [sflag:s9], $0x3E80  }
0x7d: {  	[sflag:s9] =	ssyncset.done $0x0  }
0x7e: {  	[sflag:s9] =	ssyncadd.s32 $0xFFFFC180  }
0x7f: {  	_ =	swait.ge [sflag:s11], $0x80  }
0x80: {  	p0 =	seq.s32 s14, $0x4C0;
	[sflag:s11] =	ssyncset.done $0x0  }
0x81: {  	s17 =	sadd.s32 $0xFFFFFF00, s15;
	s16 =	sadd.s32 @!p0 s14, s20;
	[sflag:s11] =	ssyncadd.s32 $0xFFFFFF80  }
0x82: {  	[tilespmem:s21], [sflag:$0x1] =	stream.indirect.gather [hbm4b:s4+s29], $0x80, s17, s29, $0xb8;
	[tilespmem:$0x1EA00] =	vst v63  }
0x83: {  	s19 =	simm.s32 @!p0 $0x16800;
	s16 =	sadd.s32 @!p0 $0x40, s16;
	s17 =	simm.s32 @!p0 $0x0  }
0x84: {  	[tilespmem:s19], [sflag:$0x5] =	stream.linear.gather @!p0 [hbm4b:s16+s17], $0x80, $0x38;
	[tilespmem:$0x1EA00] =	vst v63  }
0x85: {  	_ =	swait.ge [sflag:s31], $0x3E80  }
0x86: {  	[sflag:s31] =	ssyncset.done $0x0  }
0x87: {  	[sflag:s31] =	ssyncadd.s32 $0xFFFFC180  }
0x88: {  	[spmem:s2] =	stream.indirect.scatter.add.f32 [tilespmem:s21], [sflag:$0x3], $0x80, s28, s29, $0xb8;
	[tilespmem:$0x1EA00] =	vst v63  }
0x89: {  	_ =	swait.ge [sflag:s12], $0x3E80  }
0x8a: {  	[sflag:s12] =	ssyncset.done $0x0  }
.Ltmp3:
0x8b: {  	[sflag:s12] =	ssyncadd.s32 $0xFFFFC180;
	(pc) =	sbr.rel @p0 .LBB2_6-.Ltmp3, $4  }
0x8c: {  	_ =	swait.ge [sflag:s6], $0x80  }
0x8d: {  	[sflag:s6] =	ssyncset.done $0x0  }
0x8e: {  	s19 =	sadd.s32 $0xFFFFFF80, s15;
	[sflag:s6] =	ssyncadd.s32 $0xFFFFFF80  }
0x8f: {  	[tilespmem:s0], [sflag:$0x2] =	stream.indirect.gather [hbm4b:s4+s29], $0x80, s19, s29, $0xb8;
	[tilespmem:$0x1EA00] =	vst v63  }
0x90: {  	s16 =	sadd.s32 s14, s20  }
0x91: {  	s17 =	sadd.s32 $0x50, s16  }
0x92: {  	[tilespmem:s26], [sflag:$0x6] =	stream.linear.gather [hbm4b:s17+s3], $0x80, $0x38;
	[tilespmem:$0x1EA00] =	vst v63  }
0x93: {  	_ =	swait.ge [sflag:s8], $0x3E80  }
0x94: {  	[sflag:s8] =	ssyncset.done $0x0  }
0x95: {  	[sflag:s8] =	ssyncadd.s32 $0xFFFFC180  }
0x96: {  	[spmem:s2] =	stream.indirect.scatter.add.f32 [tilespmem:s0], [sflag:$0x4], $0x80, s7, s29, $0xb8;
	[tilespmem:$0x1EA00] =	vst v63  }
0x97: {  	_ =	swait.ge [sflag:s9], $0x3E80  }
0x98: {  	[sflag:s9] =	ssyncset.done $0x0  }
0x99: {  	[sflag:s9] =	ssyncadd.s32 $0xFFFFC180  }
0x9a: {  	_ =	swait.ge [sflag:s30], $0x80  }
.Ltmp4:
0x9b: {  	[sflag:s30] =	ssyncset.done $0x0;
	(pc) =	sbr.rel .LBB2_4-.Ltmp4, $4  }
0x9c: {  	[sflag:s30] =	ssyncadd.s32 $0xFFFFFF80  }
0x9d: {  	[tilespmem:s21], [sflag:$0x1] =	stream.indirect.gather [hbm4b:s4+s29], $0x80, s15, s29, $0xb8;
	[tilespmem:$0x1EA00] =	vst v63  }
0x9e: {  	s14 =	sadd.s32 $0x40, s14;
	s16 =	sadd.s32 $0x60, s16;
	s15 =	sadd.s32 $0x200, s15  }
0x9f: {  	[tilespmem:s28], [sflag:$0x7] =	stream.linear.gather [hbm4b:s16+s3], $0x80, $0x38;
	[tilespmem:$0x1EA00] =	vst v63  }
.LBB2_7:
0xa0: {  	_ =	sfence.sel $0x180000  }
0xa1: {  	[bflag:$0x0] =	sbarrier.arrive $0xFFFF  }
0xa2: {  	_ =	strace $0x9000004A  }
0xa3: {  	s0 =	stileid.u32;
	[bflag:$0x2] =	sbarrier.arrive $0xFFFF  }
0xa4: {  	p0 =	sne.s32 s0, $0x0;
	s0 =	rddreg [dreg:$0x2]  }
0xa5: {  	s0 =	sadd.s32 @!p0 $0x100000, s0  }
0xa6: {  	[sflag:s0] =	ssyncadd.tile.s32 @!p0 $0x1;
	_ =	shalt  }
.Lfunc_end2:
_tile_overlayer_lowered:
.L_overlay_start_2:
0xa7: {  	(tag) =	ssettag $0x2  }
0xa8: {  	s0 =	rddreg [dreg:$0x0];
	s2 =	stileid.u32  }
0xa9: {  	s1 =	rddreg [dreg:$0x1];
	p0 =	sne.s32 s2, $0x0  }
0xaa: {  	s3 =	rddreg [dreg:$0x2];
	[bflag:$0x3] =	sbarrier.arrive $0xFFFF;
	s2 =	simm.s32 @!p0 $0x1C09  }
0xab: {  	[timem:s3], [sflag:s2] =	dma.local @!p0 [hbm:s0], s1  }
0xac: {  	s0 =	simm.s32 @!p0 $0x9  }
0xad: {  	_ =	swait.ge @!p0 [sflag:s0], s1  }
0xae: {  	s1 =	ssub.s32 @!p0 $0x0, s1;
	[sflag:s0] =	ssyncset.done @!p0 $0x0  }
0xaf: {  	[sflag:s0] =	ssyncadd.s32 @!p0 s1  }
0xb0: {  	[bflag:$0x3] =	sbarrier.arrive $0xFFFF  }
0xb1: {  	_ =	shalt  }

// kernel: kernel.7.cloned.1.call-start
scs
__scs_entry_jumppad:
0x0: {  	(pc) =	sbr.rel $0x88, $3  }
0x1: {  	(tag) =	ssettag $0x0;
	lr =	simm.s32 $0x1  }
0x2: {  	[smem:$0x3F99] =	sst lr;
	_ =	strace $0xD0000000  }
0x3: {  	_ = 	snop  }
0x4: {  	_ = 	snop  }
0x5: {  	_ = 	snop  }
0x6: {  	_ = 	snop  }
0x7: {  	_ = 	snop  }
__scs_overlays_trampoline_lowered:
0x8: {  	[smem:$0x3FA8] =	sst s0  }
0x9: {  	[smem:$0x3FA9] =	sst s1  }
0xa: {  	[smem:$0x3FAA] =	sst s2  }
0xb: {  	[smem:$0x3FAB] =	sst s3  }
0xc: {  	[smem:$0x3FAC] =	sst s4  }
0xd: {  	[smem:$0x3FAD] =	sst s5  }
0xe: {  	[smem:$0x3FAE] =	sst s6  }
0xf: {  	[smem:$0x3FAF] =	sst s7  }
0x10: {  	[smem:$0x3FB0] =	sst s8  }
0x11: {  	[smem:$0x3FB1] =	sst s9;
	s0 =	simm.s32 @!p0 $0x0  }
0x12: {  	s1 =	sld [smem:$0x3F97];
	s0 =	simm.s32 @p0 $0x1  }
0x13: {  	[smem:$0x3FB2] =	sst s0;
	s0 =	simm.s32 @!p1 $0x0  }
0x14: {  	s2 =	sld [smem:$0x3F96];
	s0 =	simm.s32 @p1 $0x1  }
0x15: {  	[smem:$0x3FB3] =	sst s0;
	s0 =	simm.s32 @!p2 $0x0  }
0x16: {  	s3 =	sld [smem:$0x3FDB];
	s0 =	simm.s32 @p2 $0x1  }
0x17: {  	s4 =	simm.s32 $0x1BF5;
	[smem:$0x3FB5] =	sst s0  }
0x18: {  	s0 =	sld [smem:$0x3F98];
	_ =	swait.ge [sflag:s4], $0x0  }
0x19: {  	s7 =	sld [smem:$0x3F99]  }
0x1a: {  	s8 =	sadd.s32 $0xFFFFE003, lr  }
0x1b: {  	s9 =	sadd.s32 $0xFFFFFEF7, lr;
	s5 =	simm.s32 $0xFFFFFFFF;
	p2 =	slt.u32 s8, $0xFFFFF086  }
0x1c: {  	p1 =	slt.u32 s9, $0xF7A;
	s5 =	simm.s32 @!p2 $0x0  }
0x1d: {  	s5 =	simm.s32 @p1 $0x1;
	p0 =	seq.s32 s7, s2  }
0x1e: {  	s7 =	smul.u32 @!p0 $0xF7A, s2;
	p2 =	seq.s32 @!p0 s5, $0x0  }
0x1f: {  	s9 =	smul.u32 $0xF7A, s1;
	s8 =	simm.s32 @!p0 $0x1BF5;
	p2 =	por !p2, p0  }
0x20: {  	[sflag:s8] =	ssyncset.s32 @!p0 $0xFFFFF086;
	s6 =	sadd.s32 @!p0 s3, s7;
	s7 =	simm.s32 @!p0 $0x108  }
0x21: {  	s3 =	sadd.s32 s3, s9;
	s6 =	sadd.s32 @!p0 $0x88, s6;
	s7 =	simm.s32 @p2 $0x1082  }
0x22: {  	[simem:s7], [sflag:s8] =	dma.local @!p0 [hbm:s6], $0xF7A  }
0x23: {  	s9 =	sor.u32 $0xD0000000, s2;
	s6 =	simm.s32 $0x108;
	_ =	swait.ge @!p0 [sflag:s8], $0x0  }
0x24: {  	s3 =	sadd.s32 $0x88, s3;
	s6 =	simm.s32 @!p1 $0x1082;
	[sflag:s4] =	ssyncset.s32 $0xFFFFF086  }
0x25: {  	[simem:s6], [sflag:s4] =	dma.local [hbm:s3], $0xF7A  }
0x26: {  	[smem:$0x3F99] =	sst s1;
	(tag) =	ssettag s2;
	_ =	strace s9  }
0x27: {  	s1 =	sld [smem:$0x3FA9]  }
0x28: {  	s2 =	sld [smem:$0x3FAA]  }
0x29: {  	s4 =	sld [smem:$0x3FAC]  }
0x2a: {  	p0 =	seq.s32 s5, $0x0;
	s5 =	sld [smem:$0x3FAD]  }
0x2b: {  	s6 =	sld [smem:$0x3FAE]  }
0x2c: {  	s7 =	sld [smem:$0x3FAF]  }
0x2d: {  	s3 =	simm.s32 $0x108;
	s8 =	sld [smem:$0x3FB0]  }
0x2e: {  	s3 =	simm.s32 @!p0 $0x1082;
	s9 =	sld [smem:$0x3FB1]  }
0x2f: {  	lr =	sadd.s32 s0, s3;
	s0 =	sld [smem:$0x3FA8]  }
0x30: {  	s3 =	sld [smem:$0x3FAB]  }
0x31: {  	[smem:$0x3FB4] =	sst s10  }
0x32: {  	s10 =	sld [smem:$0x3FB2];
	_ =	sdelay $0x3  }
0x33: {  	p0 =	seq.s32 s10, $0x1;
	s10 =	sld [smem:$0x3FB4];
	_ =	sdelay $0x3  }
0x34: {  	[smem:$0x3FB4] =	sst s10  }
0x35: {  	s10 =	sld [smem:$0x3FB3];
	_ =	sdelay $0x3  }
0x36: {  	p1 =	seq.s32 s10, $0x1;
	s10 =	sld [smem:$0x3FB4];
	_ =	sdelay $0x3  }
0x37: {  	[smem:$0x3FB4] =	sst s10  }
0x38: {  	s10 =	sld [smem:$0x3FB5]  }
0x39: {  	_ = 	snop;
	(pc) =	sbr.ind lr, $3  }
0x3a: {  	_ = 	snop  }
0x3b: {  	_ = 	snop  }
0x3c: {  	p2 =	seq.s32 s10, $0x1;
	s10 =	sld [smem:$0x3FB4]  }
0x3d: {  	_ =	shalt  }
0x3e: {  	_ =	shalt  }
0x3f: {  	_ =	shalt  }
0x40: {  	_ =	shalt  }
0x41: {  	_ =	shalt  }
0x42: {  	_ =	shalt  }
0x43: {  	_ =	shalt  }
0x44: {  	_ =	shalt  }
0x45: {  	_ =	shalt  }
0x46: {  	_ =	shalt  }
0x47: {  	_ =	shalt  }
0x48: {  	_ =	shalt  }
0x49: {  	_ =	shalt  }
0x4a: {  	_ =	shalt  }
0x4b: {  	_ =	shalt  }
0x4c: {  	_ =	shalt  }
0x4d: {  	_ =	shalt  }
0x4e: {  	_ =	shalt  }
0x4f: {  	_ =	shalt  }
0x50: {  	_ =	shalt  }
0x51: {  	_ =	shalt  }
0x52: {  	_ =	shalt  }
0x53: {  	_ =	shalt  }
0x54: {  	_ =	shalt  }
0x55: {  	_ =	shalt  }
0x56: {  	_ =	shalt  }
0x57: {  	_ =	shalt  }
0x58: {  	_ =	shalt  }
0x59: {  	_ =	shalt  }
0x5a: {  	_ =	shalt  }
0x5b: {  	_ =	shalt  }
0x5c: {  	_ =	shalt  }
0x5d: {  	_ =	shalt  }
0x5e: {  	_ =	shalt  }
0x5f: {  	_ =	shalt  }
0x60: {  	_ =	shalt  }
0x61: {  	_ =	shalt  }
0x62: {  	_ =	shalt  }
0x63: {  	_ =	shalt  }
0x64: {  	_ =	shalt  }
0x65: {  	_ =	shalt  }
0x66: {  	_ =	shalt  }
0x67: {  	_ =	shalt  }
0x68: {  	_ =	shalt  }
0x69: {  	_ =	shalt  }
0x6a: {  	_ =	shalt  }
0x6b: {  	_ =	shalt  }
0x6c: {  	_ =	shalt  }
0x6d: {  	_ =	shalt  }
0x6e: {  	_ =	shalt  }
0x6f: {  	_ =	shalt  }
0x70: {  	_ =	shalt  }
0x71: {  	_ =	shalt  }
0x72: {  	_ =	shalt  }
0x73: {  	_ =	shalt  }
0x74: {  	_ =	shalt  }
0x75: {  	_ =	shalt  }
0x76: {  	_ =	shalt  }
0x77: {  	_ =	shalt  }
0x78: {  	_ =	shalt  }
0x79: {  	_ =	shalt  }
0x7a: {  	_ =	shalt  }
0x7b: {  	_ =	shalt  }
0x7c: {  	_ =	shalt  }
0x7d: {  	_ =	shalt  }
0x7e: {  	_ =	shalt  }
0x7f: {  	_ =	shalt  }
0x80: {  	_ =	shalt  }
0x81: {  	_ =	shalt  }
0x82: {  	_ =	shalt  }
0x83: {  	_ =	shalt  }
0x84: {  	_ =	shalt  }
0x85: {  	_ =	shalt  }
0x86: {  	_ =	shalt  }
0x87: {  	_ =	shalt  }
.Lfunc_end0:
.L_simem_size_0:
called_computation_lowered:
.L_overlay_start_0:
0x88: {  	s2 =	sld [smem:$0x3FD9]  }
0x89: {  	s3 =	sld [smem:$0x3FFE];
	_ =	sdelay $0x1  }
0x8a: {  	s1 =	srdreg.scid  }
0x8b: {  	s0 =	sand.u32 $0x1, s1  }
0x8c: {  	s16 =	sshll.u32 s0, $0xA;
	s2 =	sadd.s32 s3, s2  }
0x8d: {  	s2 =	sadd.s32 s2, s16  }
0x8e: {  	[smem:$0x3FC0] =	sst s2  }
0x8f: {  	_ = 	snop  }
0x90: {  	(tm) =	ssettm $0x1  }
0x91: {  	s17 =	sld [smem:$0x3FFB];
	_ =	sdelay $0x3  }
0x92: {  	_ =	strace s17  }
0x93: {  	s2 =	sld [smem:$0x3FFC];
	_ =	sdelay $0x3  }
0x94: {  	_ =	strace s2  }
0x95: {  	s2 =	sld [smem:$0x3FFD];
	_ =	sdelay $0x3  }
0x96: {  	_ =	strace s2  }
0x97: {  	_ =	strace $0x8FFFFFFF  }
0x98: {  	s18 =	sld [smem:$0x3FDB];
	_ =	sdelay $0x1  }
0x99: {  	s19 =	simm.s32 $_scs_section_size  }
0x9a: {  	s4 =	simm.s32 $_size__tile_overlayer_lowered;
	s5 =	simm.s32 $_tile_overlayer_lowered  }
0x9b: {  	s22 =	simm.s32 $0x1BFF;
	s21 =	sshll.u32 s5, $0x1;
	s2 =	sadd.s32 s19, s18  }
0x9c: {  	s6 =	simm.s32 $0x0;
	s20 =	sshll.u32 s4, $0x1;
	s4 =	sadd.s32 s21, s2  }
0x9d: {  	[timem:s6], [sflag:s22] =	dma.local [hbm:s4], s20  }
0x9e: {  	_ =	swait.ge [sflag:s22], s20  }
0x9f: {  	s3 =	ssub.s32 $0x0, s20;
	[sflag:s22] =	ssyncset.done $0x0  }
0xa0: {  	[sflag:s22] =	ssyncadd.s32 s3;
	_ =	sdelay $0x1  }
0xa1: {  	s23 =	simm.s32 $0x1B8B  }
0xa2: {  	_ =	swait.ge [sflag:s23], $0x1  }
0xa3: {  	[sflag:s23] =	ssyncset.done $0x0  }
0xa4: {  	s25 =	simm.s32 $0x1B8E;
	s24 =	sld [smem:$0x3FFE];
	[sflag:s23] =	ssyncadd.s32 $0xFFFFFFFF  }
0xa5: {  	s26 =	simm.s32 $execute0_lowered;
	[smem:$0x3FD2] =	sst s25  }
0xa6: {  	s4 =	sshll.u32 s26, $0x1;
	_ =	strace $0x80000046;
	[dreg:$0x1] =	wrdreg $0xFFFFFFFF  }
0xa7: {  	s28 =	simm.s32 $_size_execute0_lowered;
	s2 =	sadd.s32 s2, s4;
	[dreg:$0x0] =	wrdreg $0x0  }
0xa8: {  	s4 =	sshll.u32 s28, $0x1;
	[dreg:$0x2] =	wrdreg s2  }
0xa9: {  	[dreg:$0x3] =	wrdreg s4  }
0xaa: {  	[dreg:$0x4] =	wrdreg $0xC0  }
0xab: {  	_ =	task [dreg:s6], $0x5FFFF  }
0xac: {  	[dreg:$0x1] =	wrdreg $0xFFFFFFFF  }
0xad: {  	[dreg:$0x0] =	wrdreg $0x60  }
0xae: {  	[dreg:$0x2] =	wrdreg s24  }
0xaf: {  	[dreg:$0x3] =	wrdreg $0x0  }
0xb0: {  	[dreg:$0x4] =	wrdreg $0x9  }
0xb1: {  	_ =	task.clear_ibuf [dreg:s6], $0x5FFFF;
	_ =	strace $0x90000046  }
0xb2: {  	s29 =	simm.s32 $0x9;
	_ =	strace $0x80000048  }
0xb3: {  	_ =	swait.ge [sflag:s29], $0x1  }
0xb4: {  	[sflag:s29] =	ssyncadd.s32 $0xFFFFFFFF  }
0xb5: {  	_ =	strace $0x90000048  }
0xb6: {  	_ =	sfence  }
0xb7: {  	s30 =	sld [smem:$0x0];
	_ =	sdelay $0x2  }
0xb8: {  	s31 =	sshll.u32 s1, $0xD;
	s1 =	sshrl.u32 s1, $0x2  }
0xb9: {  	s3 =	sand.u32 $0x4000, s31;
	s1 =	sadd.s32 s1, s30  }
0xba: {  	s0 =	sor.u32 s3, s0;
	s1 =	sshll.u32 s1, $0x11  }
0xbb: {  	s0 =	sor.u32 s1, s0  }
0xbc: {  	s0 =	sadd.s32 $0x8F2B, s0  }
0xbd: {  	[sflag:s0] =	ssyncadd.remote.s32 $0x1  }
0xbe: {  	_ =	sfence.sel $0xFFFF  }
0xbf: {  	[dreg:$0x0] =	wrdreg $0xFFFFFFFF;
	(pc) =	sbr.abs _section_cstart, $3  }
0xc0: {  	[dreg:$0x1] =	wrdreg $0xFFFFFFFF  }
0xc1: {  	_ =	task.clear_ibuf [dreg:s6], $0x2FFFF;
	_ =	strace $0x9FFFFFFF  }
0xc2: {  	(tm) =	ssettm $0x7FFFFFFF  }
0xc3: {  	_ =	shalt  }
tec
execute0_lowered:
.L_overlay_start_1:
0x0: {  	(tag) =	ssettag $0x1  }
0x1: {  	s3 =	rddreg [dreg:$0x0];
	s0 =	srdreg.scid  }
0x2: {  	s5 =	rddreg [dreg:$0x1];
	s1 =	stileid.u32  }
0x3: {  	s2 =	simm.s32 $0x0;
	s11 =	simm.s32 $0x7A00;
	s12 =	simm.s32 $0x7C80  }
0x4: {  	s13 =	simm.s32 $0x80;
	s14 =	simm.s32 $0x100;
	s7 =	smul.u32 $0x2800, s1  }
0x5: {  	s4 =	sand.u32 $0x1, s0;
	s0 =	rddreg [dreg:$0x2];
	s28 =	smul.u32 $0xA000, s1  }
0x6: {  	[smem:$0x7FF] =	sst s2;
	s9 =	smul.u32 $0xA00, s1;
	s6 =	sshll.u32 s4, $0x4  }
0x7: {  	s8 =	sshll.u32 s4, $0x7;
	_ =	strace $0x80000047;
	s4 =	ssub.s32 $0x2, s4  }
0x8: {  	s6 =	sor.u32 s1, s6;
	s7 =	sor.u32 s8, s7;
	s29 =	sshrl.u32 s4, $0x1  }
0x9: {  	s30 =	sshrl.u32 s28, $0x2;
	s31 =	sshrl.u32 s9, $0x2;
	s6 =	smul.u32 $0x4E2, s6  }
0xa: {  	s8 =	simm.s32 $0x2800;
	s9 =	simm.s32 $0x1;
	s7 =	sshrl.u32 s7, $0x3  }
0xb: {  	s10 =	ssub.s32 s4, s29;
	s4 =	sadd.s32 s30, s5;
	s6 =	sadd.s32 s6, s3  }
0xc: {  	v2 =	vlaneseq.u32;
	s5 =	sadd.s32 s31, s5;
	s7 =	sadd.s32 s7, s3;
	s3 =	sadd.s32 $0x2400, s6  }
0xd: {  	v0 =	vimm.f32 $0.0e+00;
	v1 =	vimm.f32 $1.000000000e+00;
	v2 =	vmul.u32 $0x8, v2;
	s6 =	sadd.s32 $0xC200, s7;
	s7 =	smax.u32 s10, $0x1;
	s10 =	simm.s32 $0x4F80  }
.LBB2_1:
0xe: {  	s15 =	simm.s32 $0x40;
	s16 =	simm.s32 $0x0  }
.LBB2_2:
0xf: {  	p0 =	sne.s32 s15, $0x9FC0;
	[tilespmem:s16+$0x4F80] =	vst v0;
	s16 =	smov.u32 s15;
	s15 =	sadd.s32 $0x40, s15  }
.Ltmp0:
0x10: {  	(pc) =	sbr.rel @p0 .LBB2_2-.Ltmp0, $2  }
0x11: {  	_ =	sdelay $0x2  }
0x12: {  	s16 =	sshra.s32 s16, $0x2  }
0x13: {  	[tilespmem:s16+$0x4F80] =	vst v0;
	s15 =	simm.s32 $0x0  }
0x14: {  	[tilespmem:s8], [sflag:$0x1] =	stream.linear.gather [hbm4b:s3+s15], $0x2710, $0x38;
	[tilespmem:$0x9080] =	vst v63  }
0x15: {  	_ =	swait.ge [sflag:s9], $0x2710  }
0x16: {  	[sflag:s9] =	ssyncset.done $0x0  }
0x17: {  	s16 =	simm.s32 $0x0;
	s15 =	simm.s32 $0x40;
	[sflag:s9] =	ssyncadd.s32 $0xFFFFD8F0  }
.LBB2_4:
0x18: {  	p0 =	sne.s32 s15, $0x9C00;
	v3 =	vld [tilespmem:s16+$0x2800];
	_ =	sdelay $0x3  }
.Ltmp1:
0x19: {  	(pc) =	sbr.rel @p0 .LBB2_4-.Ltmp1, $2  }
0x1a: {  	_ =	sdelay $0x2  }
0x1b: {  	s16 =	sshra.s32 s15, $0x2;
	s15 =	sadd.s32 $0x40, s15;
	[tilespmem:v3+s10+$0x0] =	vst.idx.add.f32.msk $0xffff, v1  }
0x1c: {  	v3 =	vld [tilespmem:s16+$0x2800];
	_ =	sdelay $0x7  }
0x1d: {  	[tilespmem:v3+s10+$0x0] =	vst.idx.add.f32.msk $0xffff, v1  }
0x1e: {  	[spmem:s4] =	stream.linear.scatter [tilespmem:s10], [sflag:$0x1], $0x2800, $0x38;
	[tilespmem:$0x9080] =	vst v63  }
0x1f: {  	_ =	swait.ge [sflag:s9], $0x2800  }
0x20: {  	[sflag:s9] =	ssyncset.done $0x0  }
0x21: {  	[sflag:s9] =	ssyncadd.s32 $0xFFFFD800  }
0x22: {  	[bflag:$0x0] =	sbarrier.arrive $0xFFFF  }
0x23: {  	[tilespmem:$0x7780] =	vst v0  }
0x24: {  	[tilespmem:$0x7790] =	vst v0  }
0x25: {  	[tilespmem:$0x77A0] =	vst v0  }
0x26: {  	[tilespmem:$0x77B0] =	vst v0  }
0x27: {  	[tilespmem:$0x77C0] =	vst v0  }
0x28: {  	[tilespmem:$0x77D0] =	vst v0  }
0x29: {  	[tilespmem:$0x77E0] =	vst v0  }
0x2a: {  	[tilespmem:$0x77F0] =	vst v0  }
0x2b: {  	[tilespmem:$0x7800] =	vst v0  }
0x2c: {  	[tilespmem:$0x7810] =	vst v0  }
0x2d: {  	[tilespmem:$0x7820] =	vst v0  }
0x2e: {  	[tilespmem:$0x7830] =	vst v0  }
0x2f: {  	[tilespmem:$0x7840] =	vst v0  }
0x30: {  	[tilespmem:$0x7850] =	vst v0  }
0x31: {  	[tilespmem:$0x7860] =	vst v0  }
0x32: {  	[tilespmem:$0x7870] =	vst v0  }
0x33: {  	[tilespmem:$0x7880] =	vst v0  }
0x34: {  	[tilespmem:$0x7890] =	vst v0  }
0x35: {  	[tilespmem:$0x78A0] =	vst v0  }
0x36: {  	[tilespmem:$0x78B0] =	vst v0  }
0x37: {  	[tilespmem:$0x78C0] =	vst v0  }
0x38: {  	[tilespmem:$0x78D0] =	vst v0  }
0x39: {  	[tilespmem:$0x78E0] =	vst v0  }
0x3a: {  	[tilespmem:$0x78F0] =	vst v0  }
0x3b: {  	[tilespmem:$0x7900] =	vst v0  }
0x3c: {  	[tilespmem:$0x7910] =	vst v0  }
0x3d: {  	[tilespmem:$0x7920] =	vst v0  }
0x3e: {  	[tilespmem:$0x7930] =	vst v0  }
0x3f: {  	[tilespmem:$0x7940] =	vst v0  }
0x40: {  	[tilespmem:$0x7950] =	vst v0  }
0x41: {  	[tilespmem:$0x7960] =	vst v0  }
0x42: {  	[tilespmem:$0x7970] =	vst v0  }
0x43: {  	[tilespmem:$0x7980] =	vst v0  }
0x44: {  	[tilespmem:$0x7990] =	vst v0  }
0x45: {  	[tilespmem:$0x79A0] =	vst v0  }
0x46: {  	[tilespmem:$0x79B0] =	vst v0  }
0x47: {  	[tilespmem:$0x79C0] =	vst v0  }
0x48: {  	[tilespmem:$0x79D0] =	vst v0  }
0x49: {  	[tilespmem:$0x79E0] =	vst v0  }
0x4a: {  	s15 =	simm.s32 $0x0;
	[tilespmem:$0x79F0] =	vst v0  }
.LBB2_6:
0x4b: {  	s16 =	smul.u32 $0xA000, s15;
	_ =	sdelay $0x1  }
0x4c: {  	s16 =	sshra.s32 s16, $0x2  }
0x4d: {  	s16 =	sadd.s32 s16, s5  }
0x4e: {  	[tilespmem:s11], [sflag:$0x1] =	stream.linear.gather [spmem:s16], $0x280, $0x38;
	[tilespmem:$0x9080] =	vst v63  }
0x4f: {  	_ =	swait.ge [sflag:s9], $0x280  }
0x50: {  	[sflag:s9] =	ssyncset.done $0x0  }
0x51: {  	s16 =	simm.s32 $0x0;
	[sflag:s9] =	ssyncadd.s32 $0xFFFFFD80  }
0x52: {  	s17 =	simm.s32 $0x40;
	v3 =	vld [tilespmem:s16+$0x7A00]  }
.LBB2_7:
0x53: {  	p0 =	sne.s32 s17, $0x9C0;
	v4 =	vld [tilespmem:s16+$0x7780];
	_ =	sdelay $0x2  }
.Ltmp2:
0x54: {  	(pc) =	sbr.rel @p0 .LBB2_7-.Ltmp2, $4  }
0x55: {  	_ = 	snop  }
0x56: {  	v4 =	vadd.f32 v3, v4  }
0x57: {  	s18 =	sshra.s32 s17, $0x2  }
0x58: {  	s17 =	sadd.s32 $0x40, s17;
	v3 =	vld [tilespmem:s18+$0x7A00];
	[tilespmem:s16+$0x7780] =	vst v4;
	s16 =	smov.u32 s18  }
0x59: {  	v4 =	vld [tilespmem:s16+$0x7780]  }
0x5a: {  	s15 =	sadd.s32 $0x1, s15  }
0x5b: {  	p0 =	sne.s32 s15, $0x10  }
.Ltmp3:
0x5c: {  	_ = 	snop;
	(pc) =	sbr.rel @p0 .LBB2_6-.Ltmp3, $3  }
0x5d: {  	_ = 	snop  }
0x5e: {  	v3 =	vadd.f32 v3, v4;
	_ =	sdelay $0x1  }
0x5f: {  	[tilespmem:s16+$0x7780] =	vst v3  }
0x60: {  	s15 =	simm.s32 $0x0  }
0x61: {  	v3 =	vmov s15  }
0x62: {  	s15 =	simm.s32 $0x7780;
	v3 =	vshll.u32 v3, $0x3  }
0x63: {  	s16 =	simm.s32 $0x10;
	v4 =	vld [tilespmem:s15+$0x0];
	v3 =	vor.u32 v2, v3  }
.LBB2_10:
0x64: {  	p0 =	sne.s32 s16, $0x270  }
.Ltmp4:
0x65: {  	_ = 	snop;
	(pc) =	sbr.rel @p0 .LBB2_10-.Ltmp4, $4  }
0x66: {  	_ = 	snop  }
0x67: {  	v5 =	vmov s16;
	s16 =	sadd.s32 $0x10, s16  }
0x68: {  	s15 =	sadd.s32 $0x10, s15;
	v5 =	vshll.u32 v5, $0x3;
	[tilespmem:v3+s12+$0x0] =	vst.idx.msk $0xffff, v4  }
0x69: {  	v3 =	vor.u32 v2, v5;
	v4 =	vld [tilespmem:s15+$0x0]  }
0x6a: {  	_ =	sdelay $0x1  }
0x6b: {  	s2 =	sadd.s32 $0x1, s2  }
0x6c: {  	p0 =	sne.s32 s2, s7  }
.Ltmp5:
0x6d: {  	[tilespmem:v3+s12+$0x0] =	vst.idx.msk $0xffff, v4;
	(pc) =	sbr.rel @p0 .LBB2_1-.Ltmp5, $4  }
0x6e: {  	[hbm4b:s6+s13] =	stream.strided.scatter [tilespmem:s12], [sflag:$0x1], $0x1400, s14, s13, $0x38;
	[tilespmem:$0x9080] =	vst v63  }
0x6f: {  	_ =	swait.ge [sflag:s9], $0x1400  }
0x70: {  	[sflag:s9] =	ssyncset.done $0x0  }
0x71: {  	[sflag:s9] =	ssyncadd.s32 $0xFFFFEC00  }
0x72: {  	_ =	sfence.sel $0x180000  }
0x73: {  	[bflag:$0x0] =	sbarrier.arrive $0xFFFF  }
0x74: {  	p0 =	sne.s32 s1, $0x0;
	_ =	strace $0x90000047  }
0x75: {  	s0 =	sadd.s32 @!p0 $0x100000, s0;
	[bflag:$0x2] =	sbarrier.arrive $0xFFFF  }
0x76: {  	[sflag:s0] =	ssyncadd.tile.s32 @!p0 $0x1;
	_ =	shalt  }
.Lfunc_end2:
_tile_overlayer_lowered:
.L_overlay_start_2:
0x77: {  	(tag) =	ssettag $0x2  }
0x78: {  	s0 =	rddreg [dreg:$0x0];
	s2 =	stileid.u32  }
0x79: {  	s1 =	rddreg [dreg:$0x1];
	p0 =	sne.s32 s2, $0x0  }
0x7a: {  	s3 =	rddreg [dreg:$0x2];
	[bflag:$0x3] =	sbarrier.arrive $0xFFFF;
	s2 =	simm.s32 @!p0 $0x1C01  }
0x7b: {  	[timem:s3], [sflag:s2] =	dma.local @!p0 [hbm:s0], s1  }
0x7c: {  	s0 =	simm.s32 @!p0 $0x1  }
0x7d: {  	_ =	swait.ge @!p0 [sflag:s0], s1  }
0x7e: {  	s1 =	ssub.s32 @!p0 $0x0, s1;
	[sflag:s0] =	ssyncset.done @!p0 $0x0  }
0x7f: {  	[sflag:s0] =	ssyncadd.s32 @!p0 s1  }
0x80: {  	[bflag:$0x3] =	sbarrier.arrive $0xFFFF  }
0x81: {  	_ =	shalt  }

</sc_bundles>
